<compile_context>
chip_gen: v7x
topology: tpu7x:2x2x1
jax: 0.10.2.dev20260603
libtpu: 0.0.44.dev20260713+nightly
codegen_flags: <defaults>
</compile_context>

<pallas_src>
import functools

import jax
import jax.numpy as jnp
from jax import lax
from jax.experimental import pallas as pl
from jax.experimental.pallas import tpu as pltpu
from jax.experimental.pallas import tpu_sc as plsc

NUM_WORKERS = 32
NBUF = 4
LEAD = 2
CHUNK = 128


def _sc_gather(total, d, dp):
    per_w = total // NUM_WORKERS
    n_chunks = per_w // CHUNK
    mesh = plsc.VectorSubcoreMesh(core_axis_name="c", subcore_axis_name="s")

    @functools.partial(
        pl.kernel,
        mesh=mesh,
        out_type=jax.ShapeDtypeStruct((2 * total, d), jnp.float32),
        compiler_params=pltpu.CompilerParams(use_tc_tiling_on_sc=False),
        scratch_types=[
            pltpu.VMEM((per_w,), jnp.int32),
            pltpu.VMEM((n_chunks, CHUNK), jnp.int32),
            pltpu.VMEM((NBUF, CHUNK, d), jnp.float32),
            pltpu.SemaphoreType.DMA((NBUF,)),
            pltpu.SemaphoreType.DMA((NBUF,)),
        ],
    )
    def k(idx_hbm, sidx_hbm, table_hbm, out_hbm, idx_v, sidx_v, bufs, gsem,
          osem):
        wid = lax.axis_index("s") * 2 + lax.axis_index("c")
        base = wid * per_w
        pltpu.sync_copy(idx_hbm.at[pl.ds(base, per_w)], idx_v)
        pltpu.sync_copy(sidx_hbm.at[pl.ds(wid * n_chunks, n_chunks)], sidx_v)

        def gather(c, buf):
            pltpu.make_async_copy(
                table_hbm.at[idx_v.at[pl.ds(c * CHUNK, CHUNK)]],
                bufs.at[buf],
                gsem.at[buf],
            ).start()

        def gather_wait(buf):
            pltpu.make_async_copy(
                out_hbm.at[pl.ds(0, CHUNK)], bufs.at[buf], gsem.at[buf]
            ).wait()

        def ocopy(c, buf):
            pltpu.make_async_copy(
                bufs.at[buf],
                out_hbm.at[sidx_v.at[c]],
                osem.at[buf],
            ).start()

        def ocopy_wait(buf):
            pltpu.make_async_copy(
                bufs.at[buf], out_hbm.at[pl.ds(0, CHUNK)], osem.at[buf]
            ).wait()

        for buf in range(LEAD):
            gather(buf, buf)

        def body(i, carry):
            for buf in range(NBUF):
                c = i * NBUF + buf
                gather_wait(buf)
                ocopy(c, buf)
                f = c + LEAD
                bf = (buf + LEAD) % NBUF

                @pl.when((f >= NBUF) & (f < n_chunks))
                def _owait(bf=bf):
                    ocopy_wait(bf)

                @pl.when(f < n_chunks)
                def _gnext(f=f, bf=bf):
                    gather(f, bf)
            return carry

        lax.fori_loop(0, n_chunks // NBUF, body, 0)

        for buf in range(NBUF):
            ocopy_wait(buf)

    return k


def kernel(idx, table):
    b, h = idx.shape
    v, d = table.shape
    dp = 128
    total = b * h
    pad_mat = jnp.eye(d, dp, dtype=jnp.float32)
    table_p = jax.lax.dot_general(
        table, pad_mat, (((1,), (0,)), ((), ())),
        precision=jax.lax.Precision.DEFAULT).reshape(2 * v, d)
    idx2 = 2 * idx.reshape(-1)
    sidx = (2 * jnp.arange(total, dtype=jnp.int32)).reshape(-1, CHUNK)
    out_p = _sc_gather(total, d, dp)(idx2, sidx, table_p)
    return out_p.reshape(b, h, dp)[:, :, :d]

# --- scband reference (transcript-rebuilt; emitter-appended) ---
"""Pipeline reference for scband-word-vec-lookup-81449759801707 (READ-ONLY COPY).

The authoritative reference and input builder live on the scoring server;
editing this copy changes nothing except your own understanding.
"""

import jax, jax.numpy as jnp
import numpy as np

NUM_EMBEDDINGS = 1000000
EMBEDDING_DIM = 64
BATCH = 4096
HIST_LEN = 200


def setup_inputs(seed: int = 0) -> dict:
    key = jax.random.key(seed)
    k_idx, k_tab = jax.random.split(key)
    idx = jax.random.randint(k_idx, (BATCH, HIST_LEN), 0, NUM_EMBEDDINGS, dtype=jnp.int64) if jax.config.jax_enable_x64 else jax.random.randint(k_idx, (BATCH, HIST_LEN), 0, NUM_EMBEDDINGS, dtype=jnp.int32)
    table = jax.random.normal(k_tab, (NUM_EMBEDDINGS, EMBEDDING_DIM), dtype=jnp.float32)
    return {"idx": idx, "table": table}


def reference(idx, table):
    # nn.Embedding forward: row gather from the embedding table
    return jnp.take(table, idx, axis=0)

if __name__ == "__main__":
    import jax
    _d = setup_inputs()
    print(jax.jit(kernel)(*tuple(_d.values())))

</pallas_src>

<mosaic_0001>
#map = affine_map<(d0, d1) -> (0)>
#map1 = affine_map<(d0, d1) -> (0, 0)>
module attributes {stable_mosaic.version = 14 : i64} {
  func.func @k(%arg0: i32, %arg1: i32, %arg2: memref<819200xi32, #tpu.memory_space<hbm>>, %arg3: memref<6400x128xi32, #tpu.memory_space<hbm>>, %arg4: memref<2000000x64xf32, #tpu.memory_space<hbm>>, %arg5: memref<1638400x64xf32, #tpu.memory_space<hbm>>, %arg6: memref<25600xi32, #tpu.memory_space<vmem>>, %arg7: memref<200x128xi32, #tpu.memory_space<vmem>>, %arg8: memref<4x128x64xf32, #tpu.memory_space<vmem>>, %arg9: memref<4x!tpu.dma_semaphore, #tpu.memory_space<semaphore_mem>>, %arg10: memref<4x!tpu.dma_semaphore, #tpu.memory_space<semaphore_mem>>) attributes {dimension_semantics = [#tpu.dimension_semantics<core_parallel>, #tpu.dimension_semantics<subcore_parallel>], iteration_bounds = array<i64: 2, 16>, scalar_prefetch = 0 : i64, scratch_operands = 5 : i64, tpu.core_type = #tpu.core_type<sc_vector_subcore>, window_params = [{transform_indices = #map}, {transform_indices = #map1}, {transform_indices = #map1}, {transform_indices = #map1}]} {
    %mul3A = arith.constant 2 : i32
    %mul3A_0 = arith.muli %arg1, %mul3A : i32
    %add3A = arith.addi %mul3A_0, %arg0 : i32
    %mul3A_1 = arith.constant 25600 : i32
    %mul3A_2 = arith.muli %add3A, %mul3A_1 : i32
    "tpu.region"() ({
      %run_scoped3A = tpu.sem_alloc : memref<!tpu.dma_semaphore, #tpu.memory_space<semaphore_mem>>
      %dma_start3A_106 = tpu.memref_slice %arg2[%mul3A_2] : memref<819200xi32, #tpu.memory_space<hbm>> -> memref<25600xi32, #tpu.memory_space<hbm>>
      %dma_start3A_107 = tpu.memref_slice %arg2[%mul3A_2] : memref<819200xi32, #tpu.memory_space<hbm>> -> memref<25600xi32, #tpu.memory_space<hbm>>
      tpu.enqueue_dma source(%dma_start3A_107 : memref<25600xi32, #tpu.memory_space<hbm>>) target(%arg6 : memref<25600xi32, #tpu.memory_space<vmem>>) target_semaphore(%run_scoped3A : memref<!tpu.dma_semaphore, #tpu.memory_space<semaphore_mem>>)
      %dma_wait3A_108 = tpu.memref_slice %arg2[%mul3A_2] : memref<819200xi32, #tpu.memory_space<hbm>> -> memref<25600xi32, #tpu.memory_space<hbm>>
      %dma_wait3A_109 = tpu.memref_slice %arg2[%mul3A_2] : memref<819200xi32, #tpu.memory_space<hbm>> -> memref<25600xi32, #tpu.memory_space<hbm>>
      tpu.wait_dma2 semaphore(%run_scoped3A : memref<!tpu.dma_semaphore, #tpu.memory_space<semaphore_mem>>) src(%dma_wait3A_109 : memref<25600xi32, #tpu.memory_space<hbm>>) dst(%arg6 : memref<25600xi32, #tpu.memory_space<vmem>>)
      tpu.yield
    }) : () -> ()
    %mul3A_3 = arith.constant 200 : i32
    %mul3A_4 = arith.muli %add3A, %mul3A_3 : i32
    "tpu.region"() ({
      %run_scoped3A = tpu.sem_alloc : memref<!tpu.dma_semaphore, #tpu.memory_space<semaphore_mem>>
      %dma_start3A_106 = arith.constant 0 : i32
      %dma_start3A_107 = tpu.memref_slice %arg3[%mul3A_4, %dma_start3A_106] : memref<6400x128xi32, #tpu.memory_space<hbm>> -> memref<200x128xi32, #tpu.memory_space<hbm>>
      %dma_start3A_108 = arith.constant 0 : i32
      %dma_start3A_109 = tpu.memref_slice %arg3[%mul3A_4, %dma_start3A_108] : memref<6400x128xi32, #tpu.memory_space<hbm>> -> memref<200x128xi32, #tpu.memory_space<hbm>>
      tpu.enqueue_dma source(%dma_start3A_109 : memref<200x128xi32, #tpu.memory_space<hbm>>) target(%arg7 : memref<200x128xi32, #tpu.memory_space<vmem>>) target_semaphore(%run_scoped3A : memref<!tpu.dma_semaphore, #tpu.memory_space<semaphore_mem>>)
      %dma_wait3A_110 = arith.constant 0 : i32
      %dma_wait3A_111 = tpu.memref_slice %arg3[%mul3A_4, %dma_wait3A_110] : memref<6400x128xi32, #tpu.memory_space<hbm>> -> memref<200x128xi32, #tpu.memory_space<hbm>>
      %dma_wait3A_112 = arith.constant 0 : i32
      %dma_wait3A_113 = tpu.memref_slice %arg3[%mul3A_4, %dma_wait3A_112] : memref<6400x128xi32, #tpu.memory_space<hbm>> -> memref<200x128xi32, #tpu.memory_space<hbm>>
      tpu.wait_dma2 semaphore(%run_scoped3A : memref<!tpu.dma_semaphore, #tpu.memory_space<semaphore_mem>>) src(%dma_wait3A_113 : memref<200x128xi32, #tpu.memory_space<hbm>>) dst(%arg7 : memref<200x128xi32, #tpu.memory_space<vmem>>)
      tpu.yield
    }) : () -> ()
    %dma_start3A = arith.constant 0 : i32
    %dma_start3A_5 = arith.constant 0 : i32
    %dma_start3A_6 = arith.constant 0 : i32
    %dma_start3A_7 = arith.constant 0 : i32
    %dma_start3A_8 = tpu.memref_slice %arg8[%dma_start3A, %dma_start3A_6, %dma_start3A_7] : memref<4x128x64xf32, #tpu.memory_space<vmem>> -> memref<1x128x64xf32, #tpu.memory_space<vmem>>
    %dma_start3A_9 = tpu.memref_squeeze %dma_start3A_8 : memref<1x128x64xf32, #tpu.memory_space<vmem>> -> memref<128x64xf32, #tpu.memory_space<vmem>>
    %dma_start3A_10 = arith.constant 0 : i32
    %dma_start3A_11 = tpu.memref_slice %arg6[%dma_start3A_10] : memref<25600xi32, #tpu.memory_space<vmem>> -> memref<128xi32, #tpu.memory_space<vmem>>
    %dma_start3A_12 = arith.constant 0 : i32
    %dma_start3A_13 = arith.constant 0 : i32
    %dma_start3A_14 = tpu.memref_slice %arg4[%dma_start3A_12, %dma_start3A_13] : memref<2000000x64xf32, #tpu.memory_space<hbm>> -> memref<2000000x64xf32, #tpu.memory_space<hbm>>
    %dma_start3A_15 = tpu.memref_slice %arg9[%dma_start3A_5] : memref<4x!tpu.dma_semaphore, #tpu.memory_space<semaphore_mem>> -> memref<1x!tpu.dma_semaphore, #tpu.memory_space<semaphore_mem>>
    %dma_start3A_16 = tpu.memref_squeeze %dma_start3A_15 : memref<1x!tpu.dma_semaphore, #tpu.memory_space<semaphore_mem>> -> memref<!tpu.dma_semaphore, #tpu.memory_space<semaphore_mem>>
    tpu.enqueue_indirect_dma source(%dma_start3A_14 : memref<2000000x64xf32, #tpu.memory_space<hbm>>) target(%dma_start3A_9 : memref<128x64xf32, #tpu.memory_space<vmem>>) offsets(%dma_start3A_11 : memref<128xi32, #tpu.memory_space<vmem>>) semaphore(%dma_start3A_16 : memref<!tpu.dma_semaphore, #tpu.memory_space<semaphore_mem>>)
    %dma_start3A_17 = arith.constant 1 : i32
    %dma_start3A_18 = arith.constant 1 : i32
    %dma_start3A_19 = arith.constant 0 : i32
    %dma_start3A_20 = arith.constant 0 : i32
    %dma_start3A_21 = tpu.memref_slice %arg8[%dma_start3A_17, %dma_start3A_19, %dma_start3A_20] : memref<4x128x64xf32, #tpu.memory_space<vmem>> -> memref<1x128x64xf32, #tpu.memory_space<vmem>>
    %dma_start3A_22 = tpu.memref_squeeze %dma_start3A_21 : memref<1x128x64xf32, #tpu.memory_space<vmem>> -> memref<128x64xf32, #tpu.memory_space<vmem>>
    %dma_start3A_23 = arith.constant 128 : i32
    %dma_start3A_24 = tpu.memref_slice %arg6[%dma_start3A_23] : memref<25600xi32, #tpu.memory_space<vmem>> -> memref<128xi32, #tpu.memory_space<vmem>>
    %dma_start3A_25 = arith.constant 0 : i32
    %dma_start3A_26 = arith.constant 0 : i32
    %dma_start3A_27 = tpu.memref_slice %arg4[%dma_start3A_25, %dma_start3A_26] : memref<2000000x64xf32, #tpu.memory_space<hbm>> -> memref<2000000x64xf32, #tpu.memory_space<hbm>>
    %dma_start3A_28 = tpu.memref_slice %arg9[%dma_start3A_18] : memref<4x!tpu.dma_semaphore, #tpu.memory_space<semaphore_mem>> -> memref<1x!tpu.dma_semaphore, #tpu.memory_space<semaphore_mem>>
    %dma_start3A_29 = tpu.memref_squeeze %dma_start3A_28 : memref<1x!tpu.dma_semaphore, #tpu.memory_space<semaphore_mem>> -> memref<!tpu.dma_semaphore, #tpu.memory_space<semaphore_mem>>
    tpu.enqueue_indirect_dma source(%dma_start3A_27 : memref<2000000x64xf32, #tpu.memory_space<hbm>>) target(%dma_start3A_22 : memref<128x64xf32, #tpu.memory_space<vmem>>) offsets(%dma_start3A_24 : memref<128xi32, #tpu.memory_space<vmem>>) semaphore(%dma_start3A_29 : memref<!tpu.dma_semaphore, #tpu.memory_space<semaphore_mem>>)
    %scan3A = arith.constant 0 : i32
    %scan3A_30 = arith.constant 0 : i32
    %scan3A_31 = arith.constant 50 : i32
    %scan3A_32 = arith.addi %scan3A_30, %scan3A_31 : i32
    %scan3A_33 = arith.constant 1 : i32
    scf.for %scan3A_106 = %scan3A_30 to %scan3A_32 step %scan3A_33  : i32 {
      %mul3A_107 = arith.constant 4 : i32
      %mul3A_108 = arith.muli %scan3A_106, %mul3A_107 : i32
      %add3A_109 = arith.constant 0 : i32
      %add3A_110 = arith.addi %mul3A_108, %add3A_109 : i32
      %dma_wait3A_111 = arith.constant 0 : i32
      %dma_wait3A_112 = arith.constant 0 : i32
      %dma_wait3A_113 = arith.constant 0 : i32
      %dma_wait3A_114 = arith.constant 0 : i32
      %dma_wait3A_115 = tpu.memref_slice %arg8[%dma_wait3A_111, %dma_wait3A_113, %dma_wait3A_114] : memref<4x128x64xf32, #tpu.memory_space<vmem>> -> memref<1x128x64xf32, #tpu.memory_space<vmem>>
      %dma_wait3A_116 = tpu.memref_squeeze %dma_wait3A_115 : memref<1x128x64xf32, #tpu.memory_space<vmem>> -> memref<128x64xf32, #tpu.memory_space<vmem>>
      %dma_wait3A_117 = arith.constant 0 : i32
      %dma_wait3A_118 = arith.constant 0 : i32
      %dma_wait3A_119 = tpu.memref_slice %arg5[%dma_wait3A_117, %dma_wait3A_118] : memref<1638400x64xf32, #tpu.memory_space<hbm>> -> memref<128x64xf32, #tpu.memory_space<hbm>>
      %dma_wait3A_120 = tpu.memref_slice %arg9[%dma_wait3A_112] : memref<4x!tpu.dma_semaphore, #tpu.memory_space<semaphore_mem>> -> memref<1x!tpu.dma_semaphore, #tpu.memory_space<semaphore_mem>>
      %dma_wait3A_121 = tpu.memref_squeeze %dma_wait3A_120 : memref<1x!tpu.dma_semaphore, #tpu.memory_space<semaphore_mem>> -> memref<!tpu.dma_semaphore, #tpu.memory_space<semaphore_mem>>
      %dma_wait3A_122 = arith.constant 0 : i32
      %dma_wait3A_123 = arith.constant 0 : i32
      %dma_wait3A_124 = tpu.memref_slice %arg8[%dma_wait3A_111, %dma_wait3A_122, %dma_wait3A_123] : memref<4x128x64xf32, #tpu.memory_space<vmem>> -> memref<1x128x64xf32, #tpu.memory_space<vmem>>
      %dma_wait3A_125 = tpu.memref_squeeze %dma_wait3A_124 : memref<1x128x64xf32, #tpu.memory_space<vmem>> -> memref<128x64xf32, #tpu.memory_space<vmem>>
      %dma_wait3A_126 = arith.constant 0 : i32
      %dma_wait3A_127 = arith.constant 0 : i32
      %dma_wait3A_128 = tpu.memref_slice %arg5[%dma_wait3A_126, %dma_wait3A_127] : memref<1638400x64xf32, #tpu.memory_space<hbm>> -> memref<128x64xf32, #tpu.memory_space<hbm>>
      tpu.wait_dma2 semaphore(%dma_wait3A_121 : memref<!tpu.dma_semaphore, #tpu.memory_space<semaphore_mem>>) src(%dma_wait3A_128 : memref<128x64xf32, #tpu.memory_space<hbm>>) dst(%dma_wait3A_125 : memref<128x64xf32, #tpu.memory_space<vmem>>)
      %dma_start3A_129 = arith.constant 0 : i32
      %dma_start3A_130 = arith.constant 0 : i32
      %dma_start3A_131 = arith.constant 0 : i32
      %dma_start3A_132 = arith.constant 0 : i32
      %dma_start3A_133 = tpu.memref_slice %arg8[%dma_start3A_129, %dma_start3A_131, %dma_start3A_132] : memref<4x128x64xf32, #tpu.memory_space<vmem>> -> memref<1x128x64xf32, #tpu.memory_space<vmem>>
      %dma_start3A_134 = tpu.memref_squeeze %dma_start3A_133 : memref<1x128x64xf32, #tpu.memory_space<vmem>> -> memref<128x64xf32, #tpu.memory_space<vmem>>
      %dma_start3A_135 = arith.constant 0 : i32
      %dma_start3A_136 = tpu.memref_slice %arg7[%add3A_110, %dma_start3A_135] : memref<200x128xi32, #tpu.memory_space<vmem>> -> memref<1x128xi32, #tpu.memory_space<vmem>>
      %dma_start3A_137 = tpu.memref_squeeze %dma_start3A_136 : memref<1x128xi32, #tpu.memory_space<vmem>> -> memref<128xi32, #tpu.memory_space<vmem>>
      %dma_start3A_138 = arith.constant 0 : i32
      %dma_start3A_139 = arith.constant 0 : i32
      %dma_start3A_140 = tpu.memref_slice %arg5[%dma_start3A_138, %dma_start3A_139] : memref<1638400x64xf32, #tpu.memory_space<hbm>> -> memref<1638400x64xf32, #tpu.memory_space<hbm>>
      %dma_start3A_141 = tpu.memref_slice %arg10[%dma_start3A_130] : memref<4x!tpu.dma_semaphore, #tpu.memory_space<semaphore_mem>> -> memref<1x!tpu.dma_semaphore, #tpu.memory_space<semaphore_mem>>
      %dma_start3A_142 = tpu.memref_squeeze %dma_start3A_141 : memref<1x!tpu.dma_semaphore, #tpu.memory_space<semaphore_mem>> -> memref<!tpu.dma_semaphore, #tpu.memory_space<semaphore_mem>>
      tpu.enqueue_indirect_dma source(%dma_start3A_134 : memref<128x64xf32, #tpu.memory_space<vmem>>) target(%dma_start3A_140 : memref<1638400x64xf32, #tpu.memory_space<hbm>>) offsets(%dma_start3A_137 : memref<128xi32, #tpu.memory_space<vmem>>) semaphore(%dma_start3A_142 : memref<!tpu.dma_semaphore, #tpu.memory_space<semaphore_mem>>)
      %add3A_143 = arith.constant 2 : i32
      %add3A_144 = arith.addi %add3A_110, %add3A_143 : i32
      %ge3A = arith.constant 4 : i32
      %ge3A_145 = arith.cmpi sge, %add3A_144, %ge3A : i32
      %lt3A = arith.constant 200 : i32
      %lt3A_146 = arith.cmpi slt, %add3A_144, %lt3A : i32
      %and3A = arith.andi %ge3A_145, %lt3A_146 : i1
      %convert_element_type3A = arith.extui %and3A : i1 to i32
      %cond3A = arith.constant 0 : i32
      %cond3A_147 = arith.cmpi ne, %convert_element_type3A, %cond3A : i32
      scf.if %cond3A_147 {
        %dma_wait3A_306 = arith.constant 2 : i32
        %dma_wait3A_307 = arith.constant 2 : i32
        %dma_wait3A_308 = arith.constant 0 : i32
        %dma_wait3A_309 = arith.constant 0 : i32
        %dma_wait3A_310 = tpu.memref_slice %arg8[%dma_wait3A_306, %dma_wait3A_308, %dma_wait3A_309] : memref<4x128x64xf32, #tpu.memory_space<vmem>> -> memref<1x128x64xf32, #tpu.memory_space<vmem>>
        %dma_wait3A_311 = tpu.memref_squeeze %dma_wait3A_310 : memref<1x128x64xf32, #tpu.memory_space<vmem>> -> memref<128x64xf32, #tpu.memory_space<vmem>>
        %dma_wait3A_312 = arith.constant 0 : i32
        %dma_wait3A_313 = arith.constant 0 : i32
        %dma_wait3A_314 = tpu.memref_slice %arg5[%dma_wait3A_312, %dma_wait3A_313] : memref<1638400x64xf32, #tpu.memory_space<hbm>> -> memref<128x64xf32, #tpu.memory_space<hbm>>
        %dma_wait3A_315 = tpu.memref_slice %arg10[%dma_wait3A_307] : memref<4x!tpu.dma_semaphore, #tpu.memory_space<semaphore_mem>> -> memref<1x!tpu.dma_semaphore, #tpu.memory_space<semaphore_mem>>
        %dma_wait3A_316 = tpu.memref_squeeze %dma_wait3A_315 : memref<1x!tpu.dma_semaphore, #tpu.memory_space<semaphore_mem>> -> memref<!tpu.dma_semaphore, #tpu.memory_space<semaphore_mem>>
        %dma_wait3A_317 = arith.constant 0 : i32
        %dma_wait3A_318 = arith.constant 0 : i32
        %dma_wait3A_319 = tpu.memref_slice %arg5[%dma_wait3A_317, %dma_wait3A_318] : memref<1638400x64xf32, #tpu.memory_space<hbm>> -> memref<128x64xf32, #tpu.memory_space<hbm>>
        %dma_wait3A_320 = arith.constant 0 : i32
        %dma_wait3A_321 = arith.constant 0 : i32
        %dma_wait3A_322 = tpu.memref_slice %arg8[%dma_wait3A_306, %dma_wait3A_320, %dma_wait3A_321] : memref<4x128x64xf32, #tpu.memory_space<vmem>> -> memref<1x128x64xf32, #tpu.memory_space<vmem>>
        %dma_wait3A_323 = tpu.memref_squeeze %dma_wait3A_322 : memref<1x128x64xf32, #tpu.memory_space<vmem>> -> memref<128x64xf32, #tpu.memory_space<vmem>>
        tpu.wait_dma2 semaphore(%dma_wait3A_316 : memref<!tpu.dma_semaphore, #tpu.memory_space<semaphore_mem>>) src(%dma_wait3A_323 : memref<128x64xf32, #tpu.memory_space<vmem>>) dst(%dma_wait3A_319 : memref<128x64xf32, #tpu.memory_space<hbm>>)
      } else {
      }
      %lt3A_148 = arith.constant 200 : i32
      %lt3A_149 = arith.cmpi slt, %add3A_144, %lt3A_148 : i32
      %convert_element_type3A_150 = arith.extui %lt3A_149 : i1 to i32
      %cond3A_151 = arith.constant 0 : i32
      %cond3A_152 = arith.cmpi ne, %convert_element_type3A_150, %cond3A_151 : i32
      scf.if %cond3A_152 {
        %mul3A_306 = arith.constant 128 : i32
        %mul3A_307 = arith.muli %add3A_144, %mul3A_306 : i32
        %dma_start3A_308 = arith.constant 2 : i32
        %dma_start3A_309 = arith.constant 2 : i32
        %dma_start3A_310 = arith.constant 0 : i32
        %dma_start3A_311 = arith.constant 0 : i32
        %dma_start3A_312 = tpu.memref_slice %arg8[%dma_start3A_308, %dma_start3A_310, %dma_start3A_311] : memref<4x128x64xf32, #tpu.memory_space<vmem>> -> memref<1x128x64xf32, #tpu.memory_space<vmem>>
        %dma_start3A_313 = tpu.memref_squeeze %dma_start3A_312 : memref<1x128x64xf32, #tpu.memory_space<vmem>> -> memref<128x64xf32, #tpu.memory_space<vmem>>
        %dma_start3A_314 = tpu.memref_slice %arg6[%mul3A_307] : memref<25600xi32, #tpu.memory_space<vmem>> -> memref<128xi32, #tpu.memory_space<vmem>>
        %dma_start3A_315 = arith.constant 0 : i32
        %dma_start3A_316 = arith.constant 0 : i32
        %dma_start3A_317 = tpu.memref_slice %arg4[%dma_start3A_315, %dma_start3A_316] : memref<2000000x64xf32, #tpu.memory_space<hbm>> -> memref<2000000x64xf32, #tpu.memory_space<hbm>>
        %dma_start3A_318 = tpu.memref_slice %arg9[%dma_start3A_309] : memref<4x!tpu.dma_semaphore, #tpu.memory_space<semaphore_mem>> -> memref<1x!tpu.dma_semaphore, #tpu.memory_space<semaphore_mem>>
        %dma_start3A_319 = tpu.memref_squeeze %dma_start3A_318 : memref<1x!tpu.dma_semaphore, #tpu.memory_space<semaphore_mem>> -> memref<!tpu.dma_semaphore, #tpu.memory_space<semaphore_mem>>
        tpu.enqueue_indirect_dma source(%dma_start3A_317 : memref<2000000x64xf32, #tpu.memory_space<hbm>>) target(%dma_start3A_313 : memref<128x64xf32, #tpu.memory_space<vmem>>) offsets(%dma_start3A_314 : memref<128xi32, #tpu.memory_space<vmem>>) semaphore(%dma_start3A_319 : memref<!tpu.dma_semaphore, #tpu.memory_space<semaphore_mem>>)
      } else {
      }
      %mul3A_153 = arith.constant 4 : i32
      %mul3A_154 = arith.muli %scan3A_106, %mul3A_153 : i32
      %add3A_155 = arith.constant 1 : i32
      %add3A_156 = arith.addi %mul3A_154, %add3A_155 : i32
      %dma_wait3A_157 = arith.constant 1 : i32
      %dma_wait3A_158 = arith.constant 1 : i32
      %dma_wait3A_159 = arith.constant 0 : i32
      %dma_wait3A_160 = arith.constant 0 : i32
      %dma_wait3A_161 = tpu.memref_slice %arg8[%dma_wait3A_157, %dma_wait3A_159, %dma_wait3A_160] : memref<4x128x64xf32, #tpu.memory_space<vmem>> -> memref<1x128x64xf32, #tpu.memory_space<vmem>>
      %dma_wait3A_162 = tpu.memref_squeeze %dma_wait3A_161 : memref<1x128x64xf32, #tpu.memory_space<vmem>> -> memref<128x64xf32, #tpu.memory_space<vmem>>
      %dma_wait3A_163 = arith.constant 0 : i32
      %dma_wait3A_164 = arith.constant 0 : i32
      %dma_wait3A_165 = tpu.memref_slice %arg5[%dma_wait3A_163, %dma_wait3A_164] : memref<1638400x64xf32, #tpu.memory_space<hbm>> -> memref<128x64xf32, #tpu.memory_space<hbm>>
      %dma_wait3A_166 = tpu.memref_slice %arg9[%dma_wait3A_158] : memref<4x!tpu.dma_semaphore, #tpu.memory_space<semaphore_mem>> -> memref<1x!tpu.dma_semaphore, #tpu.memory_space<semaphore_mem>>
      %dma_wait3A_167 = tpu.memref_squeeze %dma_wait3A_166 : memref<1x!tpu.dma_semaphore, #tpu.memory_space<semaphore_mem>> -> memref<!tpu.dma_semaphore, #tpu.memory_space<semaphore_mem>>
      %dma_wait3A_168 = arith.constant 0 : i32
      %dma_wait3A_169 = arith.constant 0 : i32
      %dma_wait3A_170 = tpu.memref_slice %arg8[%dma_wait3A_157, %dma_wait3A_168, %dma_wait3A_169] : memref<4x128x64xf32, #tpu.memory_space<vmem>> -> memref<1x128x64xf32, #tpu.memory_space<vmem>>
      %dma_wait3A_171 = tpu.memref_squeeze %dma_wait3A_170 : memref<1x128x64xf32, #tpu.memory_space<vmem>> -> memref<128x64xf32, #tpu.memory_space<vmem>>
      %dma_wait3A_172 = arith.constant 0 : i32
      %dma_wait3A_173 = arith.constant 0 : i32
      %dma_wait3A_174 = tpu.memref_slice %arg5[%dma_wait3A_172, %dma_wait3A_173] : memref<1638400x64xf32, #tpu.memory_space<hbm>> -> memref<128x64xf32, #tpu.memory_space<hbm>>
      tpu.wait_dma2 semaphore(%dma_wait3A_167 : memref<!tpu.dma_semaphore, #tpu.memory_space<semaphore_mem>>) src(%dma_wait3A_174 : memref<128x64xf32, #tpu.memory_space<hbm>>) dst(%dma_wait3A_171 : memref<128x64xf32, #tpu.memory_space<vmem>>)
      %dma_start3A_175 = arith.constant 1 : i32
      %dma_start3A_176 = arith.constant 1 : i32
      %dma_start3A_177 = arith.constant 0 : i32
      %dma_start3A_178 = arith.constant 0 : i32
      %dma_start3A_179 = tpu.memref_slice %arg8[%dma_start3A_175, %dma_start3A_177, %dma_start3A_178] : memref<4x128x64xf32, #tpu.memory_space<vmem>> -> memref<1x128x64xf32, #tpu.memory_space<vmem>>
      %dma_start3A_180 = tpu.memref_squeeze %dma_start3A_179 : memref<1x128x64xf32, #tpu.memory_space<vmem>> -> memref<128x64xf32, #tpu.memory_space<vmem>>
      %dma_start3A_181 = arith.constant 0 : i32
      %dma_start3A_182 = tpu.memref_slice %arg7[%add3A_156, %dma_start3A_181] : memref<200x128xi32, #tpu.memory_space<vmem>> -> memref<1x128xi32, #tpu.memory_space<vmem>>
      %dma_start3A_183 = tpu.memref_squeeze %dma_start3A_182 : memref<1x128xi32, #tpu.memory_space<vmem>> -> memref<128xi32, #tpu.memory_space<vmem>>
      %dma_start3A_184 = arith.constant 0 : i32
      %dma_start3A_185 = arith.constant 0 : i32
      %dma_start3A_186 = tpu.memref_slice %arg5[%dma_start3A_184, %dma_start3A_185] : memref<1638400x64xf32, #tpu.memory_space<hbm>> -> memref<1638400x64xf32, #tpu.memory_space<hbm>>
      %dma_start3A_187 = tpu.memref_slice %arg10[%dma_start3A_176] : memref<4x!tpu.dma_semaphore, #tpu.memory_space<semaphore_mem>> -> memref<1x!tpu.dma_semaphore, #tpu.memory_space<semaphore_mem>>
      %dma_start3A_188 = tpu.memref_squeeze %dma_start3A_187 : memref<1x!tpu.dma_semaphore, #tpu.memory_space<semaphore_mem>> -> memref<!tpu.dma_semaphore, #tpu.memory_space<semaphore_mem>>
      tpu.enqueue_indirect_dma source(%dma_start3A_180 : memref<128x64xf32, #tpu.memory_space<vmem>>) target(%dma_start3A_186 : memref<1638400x64xf32, #tpu.memory_space<hbm>>) offsets(%dma_start3A_183 : memref<128xi32, #tpu.memory_space<vmem>>) semaphore(%dma_start3A_188 : memref<!tpu.dma_semaphore, #tpu.memory_space<semaphore_mem>>)
      %add3A_189 = arith.constant 2 : i32
      %add3A_190 = arith.addi %add3A_156, %add3A_189 : i32
      %ge3A_191 = arith.constant 4 : i32
      %ge3A_192 = arith.cmpi sge, %add3A_190, %ge3A_191 : i32
      %lt3A_193 = arith.constant 200 : i32
      %lt3A_194 = arith.cmpi slt, %add3A_190, %lt3A_193 : i32
      %and3A_195 = arith.andi %ge3A_192, %lt3A_194 : i1
      %convert_element_type3A_196 = arith.extui %and3A_195 : i1 to i32
      %cond3A_197 = arith.constant 0 : i32
      %cond3A_198 = arith.cmpi ne, %convert_element_type3A_196, %cond3A_197 : i32
      scf.if %cond3A_198 {
        %dma_wait3A_306 = arith.constant 3 : i32
        %dma_wait3A_307 = arith.constant 3 : i32
        %dma_wait3A_308 = arith.constant 0 : i32
        %dma_wait3A_309 = arith.constant 0 : i32
        %dma_wait3A_310 = tpu.memref_slice %arg8[%dma_wait3A_306, %dma_wait3A_308, %dma_wait3A_309] : memref<4x128x64xf32, #tpu.memory_space<vmem>> -> memref<1x128x64xf32, #tpu.memory_space<vmem>>
        %dma_wait3A_311 = tpu.memref_squeeze %dma_wait3A_310 : memref<1x128x64xf32, #tpu.memory_space<vmem>> -> memref<128x64xf32, #tpu.memory_space<vmem>>
        %dma_wait3A_312 = arith.constant 0 : i32
        %dma_wait3A_313 = arith.constant 0 : i32
        %dma_wait3A_314 = tpu.memref_slice %arg5[%dma_wait3A_312, %dma_wait3A_313] : memref<1638400x64xf32, #tpu.memory_space<hbm>> -> memref<128x64xf32, #tpu.memory_space<hbm>>
        %dma_wait3A_315 = tpu.memref_slice %arg10[%dma_wait3A_307] : memref<4x!tpu.dma_semaphore, #tpu.memory_space<semaphore_mem>> -> memref<1x!tpu.dma_semaphore, #tpu.memory_space<semaphore_mem>>
        %dma_wait3A_316 = tpu.memref_squeeze %dma_wait3A_315 : memref<1x!tpu.dma_semaphore, #tpu.memory_space<semaphore_mem>> -> memref<!tpu.dma_semaphore, #tpu.memory_space<semaphore_mem>>
        %dma_wait3A_317 = arith.constant 0 : i32
        %dma_wait3A_318 = arith.constant 0 : i32
        %dma_wait3A_319 = tpu.memref_slice %arg5[%dma_wait3A_317, %dma_wait3A_318] : memref<1638400x64xf32, #tpu.memory_space<hbm>> -> memref<128x64xf32, #tpu.memory_space<hbm>>
        %dma_wait3A_320 = arith.constant 0 : i32
        %dma_wait3A_321 = arith.constant 0 : i32
        %dma_wait3A_322 = tpu.memref_slice %arg8[%dma_wait3A_306, %dma_wait3A_320, %dma_wait3A_321] : memref<4x128x64xf32, #tpu.memory_space<vmem>> -> memref<1x128x64xf32, #tpu.memory_space<vmem>>
        %dma_wait3A_323 = tpu.memref_squeeze %dma_wait3A_322 : memref<1x128x64xf32, #tpu.memory_space<vmem>> -> memref<128x64xf32, #tpu.memory_space<vmem>>
        tpu.wait_dma2 semaphore(%dma_wait3A_316 : memref<!tpu.dma_semaphore, #tpu.memory_space<semaphore_mem>>) src(%dma_wait3A_323 : memref<128x64xf32, #tpu.memory_space<vmem>>) dst(%dma_wait3A_319 : memref<128x64xf32, #tpu.memory_space<hbm>>)
      } else {
      }
      %lt3A_199 = arith.constant 200 : i32
      %lt3A_200 = arith.cmpi slt, %add3A_190, %lt3A_199 : i32
      %convert_element_type3A_201 = arith.extui %lt3A_200 : i1 to i32
      %cond3A_202 = arith.constant 0 : i32
      %cond3A_203 = arith.cmpi ne, %convert_element_type3A_201, %cond3A_202 : i32
      scf.if %cond3A_203 {
        %mul3A_306 = arith.constant 128 : i32
        %mul3A_307 = arith.muli %add3A_190, %mul3A_306 : i32
        %dma_start3A_308 = arith.constant 3 : i32
        %dma_start3A_309 = arith.constant 3 : i32
        %dma_start3A_310 = arith.constant 0 : i32
        %dma_start3A_311 = arith.constant 0 : i32
        %dma_start3A_312 = tpu.memref_slice %arg8[%dma_start3A_308, %dma_start3A_310, %dma_start3A_311] : memref<4x128x64xf32, #tpu.memory_space<vmem>> -> memref<1x128x64xf32, #tpu.memory_space<vmem>>
        %dma_start3A_313 = tpu.memref_squeeze %dma_start3A_312 : memref<1x128x64xf32, #tpu.memory_space<vmem>> -> memref<128x64xf32, #tpu.memory_space<vmem>>
        %dma_start3A_314 = tpu.memref_slice %arg6[%mul3A_307] : memref<25600xi32, #tpu.memory_space<vmem>> -> memref<128xi32, #tpu.memory_space<vmem>>
        %dma_start3A_315 = arith.constant 0 : i32
        %dma_start3A_316 = arith.constant 0 : i32
        %dma_start3A_317 = tpu.memref_slice %arg4[%dma_start3A_315, %dma_start3A_316] : memref<2000000x64xf32, #tpu.memory_space<hbm>> -> memref<2000000x64xf32, #tpu.memory_space<hbm>>
        %dma_start3A_318 = tpu.memref_slice %arg9[%dma_start3A_309] : memref<4x!tpu.dma_semaphore, #tpu.memory_space<semaphore_mem>> -> memref<1x!tpu.dma_semaphore, #tpu.memory_space<semaphore_mem>>
        %dma_start3A_319 = tpu.memref_squeeze %dma_start3A_318 : memref<1x!tpu.dma_semaphore, #tpu.memory_space<semaphore_mem>> -> memref<!tpu.dma_semaphore, #tpu.memory_space<semaphore_mem>>
        tpu.enqueue_indirect_dma source(%dma_start3A_317 : memref<2000000x64xf32, #tpu.memory_space<hbm>>) target(%dma_start3A_313 : memref<128x64xf32, #tpu.memory_space<vmem>>) offsets(%dma_start3A_314 : memref<128xi32, #tpu.memory_space<vmem>>) semaphore(%dma_start3A_319 : memref<!tpu.dma_semaphore, #tpu.memory_space<semaphore_mem>>)
      } else {
      }
      %mul3A_204 = arith.constant 4 : i32
      %mul3A_205 = arith.muli %scan3A_106, %mul3A_204 : i32
      %add3A_206 = arith.constant 2 : i32
      %add3A_207 = arith.addi %mul3A_205, %add3A_206 : i32
      %dma_wait3A_208 = arith.constant 2 : i32
      %dma_wait3A_209 = arith.constant 2 : i32
      %dma_wait3A_210 = arith.constant 0 : i32
      %dma_wait3A_211 = arith.constant 0 : i32
      %dma_wait3A_212 = tpu.memref_slice %arg8[%dma_wait3A_208, %dma_wait3A_210, %dma_wait3A_211] : memref<4x128x64xf32, #tpu.memory_space<vmem>> -> memref<1x128x64xf32, #tpu.memory_space<vmem>>
      %dma_wait3A_213 = tpu.memref_squeeze %dma_wait3A_212 : memref<1x128x64xf32, #tpu.memory_space<vmem>> -> memref<128x64xf32, #tpu.memory_space<vmem>>
      %dma_wait3A_214 = arith.constant 0 : i32
      %dma_wait3A_215 = arith.constant 0 : i32
      %dma_wait3A_216 = tpu.memref_slice %arg5[%dma_wait3A_214, %dma_wait3A_215] : memref<1638400x64xf32, #tpu.memory_space<hbm>> -> memref<128x64xf32, #tpu.memory_space<hbm>>
      %dma_wait3A_217 = tpu.memref_slice %arg9[%dma_wait3A_209] : memref<4x!tpu.dma_semaphore, #tpu.memory_space<semaphore_mem>> -> memref<1x!tpu.dma_semaphore, #tpu.memory_space<semaphore_mem>>
      %dma_wait3A_218 = tpu.memref_squeeze %dma_wait3A_217 : memref<1x!tpu.dma_semaphore, #tpu.memory_space<semaphore_mem>> -> memref<!tpu.dma_semaphore, #tpu.memory_space<semaphore_mem>>
      %dma_wait3A_219 = arith.constant 0 : i32
      %dma_wait3A_220 = arith.constant 0 : i32
      %dma_wait3A_221 = tpu.memref_slice %arg8[%dma_wait3A_208, %dma_wait3A_219, %dma_wait3A_220] : memref<4x128x64xf32, #tpu.memory_space<vmem>> -> memref<1x128x64xf32, #tpu.memory_space<vmem>>
      %dma_wait3A_222 = tpu.memref_squeeze %dma_wait3A_221 : memref<1x128x64xf32, #tpu.memory_space<vmem>> -> memref<128x64xf32, #tpu.memory_space<vmem>>
      %dma_wait3A_223 = arith.constant 0 : i32
      %dma_wait3A_224 = arith.constant 0 : i32
      %dma_wait3A_225 = tpu.memref_slice %arg5[%dma_wait3A_223, %dma_wait3A_224] : memref<1638400x64xf32, #tpu.memory_space<hbm>> -> memref<128x64xf32, #tpu.memory_space<hbm>>
      tpu.wait_dma2 semaphore(%dma_wait3A_218 : memref<!tpu.dma_semaphore, #tpu.memory_space<semaphore_mem>>) src(%dma_wait3A_225 : memref<128x64xf32, #tpu.memory_space<hbm>>) dst(%dma_wait3A_222 : memref<128x64xf32, #tpu.memory_space<vmem>>)
      %dma_start3A_226 = arith.constant 2 : i32
      %dma_start3A_227 = arith.constant 2 : i32
      %dma_start3A_228 = arith.constant 0 : i32
      %dma_start3A_229 = arith.constant 0 : i32
      %dma_start3A_230 = tpu.memref_slice %arg8[%dma_start3A_226, %dma_start3A_228, %dma_start3A_229] : memref<4x128x64xf32, #tpu.memory_space<vmem>> -> memref<1x128x64xf32, #tpu.memory_space<vmem>>
      %dma_start3A_231 = tpu.memref_squeeze %dma_start3A_230 : memref<1x128x64xf32, #tpu.memory_space<vmem>> -> memref<128x64xf32, #tpu.memory_space<vmem>>
      %dma_start3A_232 = arith.constant 0 : i32
      %dma_start3A_233 = tpu.memref_slice %arg7[%add3A_207, %dma_start3A_232] : memref<200x128xi32, #tpu.memory_space<vmem>> -> memref<1x128xi32, #tpu.memory_space<vmem>>
      %dma_start3A_234 = tpu.memref_squeeze %dma_start3A_233 : memref<1x128xi32, #tpu.memory_space<vmem>> -> memref<128xi32, #tpu.memory_space<vmem>>
      %dma_start3A_235 = arith.constant 0 : i32
      %dma_start3A_236 = arith.constant 0 : i32
      %dma_start3A_237 = tpu.memref_slice %arg5[%dma_start3A_235, %dma_start3A_236] : memref<1638400x64xf32, #tpu.memory_space<hbm>> -> memref<1638400x64xf32, #tpu.memory_space<hbm>>
      %dma_start3A_238 = tpu.memref_slice %arg10[%dma_start3A_227] : memref<4x!tpu.dma_semaphore, #tpu.memory_space<semaphore_mem>> -> memref<1x!tpu.dma_semaphore, #tpu.memory_space<semaphore_mem>>
      %dma_start3A_239 = tpu.memref_squeeze %dma_start3A_238 : memref<1x!tpu.dma_semaphore, #tpu.memory_space<semaphore_mem>> -> memref<!tpu.dma_semaphore, #tpu.memory_space<semaphore_mem>>
      tpu.enqueue_indirect_dma source(%dma_start3A_231 : memref<128x64xf32, #tpu.memory_space<vmem>>) target(%dma_start3A_237 : memref<1638400x64xf32, #tpu.memory_space<hbm>>) offsets(%dma_start3A_234 : memref<128xi32, #tpu.memory_space<vmem>>) semaphore(%dma_start3A_239 : memref<!tpu.dma_semaphore, #tpu.memory_space<semaphore_mem>>)
      %add3A_240 = arith.constant 2 : i32
      %add3A_241 = arith.addi %add3A_207, %add3A_240 : i32
      %ge3A_242 = arith.constant 4 : i32
      %ge3A_243 = arith.cmpi sge, %add3A_241, %ge3A_242 : i32
      %lt3A_244 = arith.constant 200 : i32
      %lt3A_245 = arith.cmpi slt, %add3A_241, %lt3A_244 : i32
      %and3A_246 = arith.andi %ge3A_243, %lt3A_245 : i1
      %convert_element_type3A_247 = arith.extui %and3A_246 : i1 to i32
      %cond3A_248 = arith.constant 0 : i32
      %cond3A_249 = arith.cmpi ne, %convert_element_type3A_247, %cond3A_248 : i32
      scf.if %cond3A_249 {
        %dma_wait3A_306 = arith.constant 0 : i32
        %dma_wait3A_307 = arith.constant 0 : i32
        %dma_wait3A_308 = arith.constant 0 : i32
        %dma_wait3A_309 = arith.constant 0 : i32
        %dma_wait3A_310 = tpu.memref_slice %arg8[%dma_wait3A_306, %dma_wait3A_308, %dma_wait3A_309] : memref<4x128x64xf32, #tpu.memory_space<vmem>> -> memref<1x128x64xf32, #tpu.memory_space<vmem>>
        %dma_wait3A_311 = tpu.memref_squeeze %dma_wait3A_310 : memref<1x128x64xf32, #tpu.memory_space<vmem>> -> memref<128x64xf32, #tpu.memory_space<vmem>>
        %dma_wait3A_312 = arith.constant 0 : i32
        %dma_wait3A_313 = arith.constant 0 : i32
        %dma_wait3A_314 = tpu.memref_slice %arg5[%dma_wait3A_312, %dma_wait3A_313] : memref<1638400x64xf32, #tpu.memory_space<hbm>> -> memref<128x64xf32, #tpu.memory_space<hbm>>
        %dma_wait3A_315 = tpu.memref_slice %arg10[%dma_wait3A_307] : memref<4x!tpu.dma_semaphore, #tpu.memory_space<semaphore_mem>> -> memref<1x!tpu.dma_semaphore, #tpu.memory_space<semaphore_mem>>
        %dma_wait3A_316 = tpu.memref_squeeze %dma_wait3A_315 : memref<1x!tpu.dma_semaphore, #tpu.memory_space<semaphore_mem>> -> memref<!tpu.dma_semaphore, #tpu.memory_space<semaphore_mem>>
        %dma_wait3A_317 = arith.constant 0 : i32
        %dma_wait3A_318 = arith.constant 0 : i32
        %dma_wait3A_319 = tpu.memref_slice %arg5[%dma_wait3A_317, %dma_wait3A_318] : memref<1638400x64xf32, #tpu.memory_space<hbm>> -> memref<128x64xf32, #tpu.memory_space<hbm>>
        %dma_wait3A_320 = arith.constant 0 : i32
        %dma_wait3A_321 = arith.constant 0 : i32
        %dma_wait3A_322 = tpu.memref_slice %arg8[%dma_wait3A_306, %dma_wait3A_320, %dma_wait3A_321] : memref<4x128x64xf32, #tpu.memory_space<vmem>> -> memref<1x128x64xf32, #tpu.memory_space<vmem>>
        %dma_wait3A_323 = tpu.memref_squeeze %dma_wait3A_322 : memref<1x128x64xf32, #tpu.memory_space<vmem>> -> memref<128x64xf32, #tpu.memory_space<vmem>>
        tpu.wait_dma2 semaphore(%dma_wait3A_316 : memref<!tpu.dma_semaphore, #tpu.memory_space<semaphore_mem>>) src(%dma_wait3A_323 : memref<128x64xf32, #tpu.memory_space<vmem>>) dst(%dma_wait3A_319 : memref<128x64xf32, #tpu.memory_space<hbm>>)
      } else {
      }
      %lt3A_250 = arith.constant 200 : i32
      %lt3A_251 = arith.cmpi slt, %add3A_241, %lt3A_250 : i32
      %convert_element_type3A_252 = arith.extui %lt3A_251 : i1 to i32
      %cond3A_253 = arith.constant 0 : i32
      %cond3A_254 = arith.cmpi ne, %convert_element_type3A_252, %cond3A_253 : i32
      scf.if %cond3A_254 {
        %mul3A_306 = arith.constant 128 : i32
        %mul3A_307 = arith.muli %add3A_241, %mul3A_306 : i32
        %dma_start3A_308 = arith.constant 0 : i32
        %dma_start3A_309 = arith.constant 0 : i32
        %dma_start3A_310 = arith.constant 0 : i32
        %dma_start3A_311 = arith.constant 0 : i32
        %dma_start3A_312 = tpu.memref_slice %arg8[%dma_start3A_308, %dma_start3A_310, %dma_start3A_311] : memref<4x128x64xf32, #tpu.memory_space<vmem>> -> memref<1x128x64xf32, #tpu.memory_space<vmem>>
        %dma_start3A_313 = tpu.memref_squeeze %dma_start3A_312 : memref<1x128x64xf32, #tpu.memory_space<vmem>> -> memref<128x64xf32, #tpu.memory_space<vmem>>
        %dma_start3A_314 = tpu.memref_slice %arg6[%mul3A_307] : memref<25600xi32, #tpu.memory_space<vmem>> -> memref<128xi32, #tpu.memory_space<vmem>>
        %dma_start3A_315 = arith.constant 0 : i32
        %dma_start3A_316 = arith.constant 0 : i32
        %dma_start3A_317 = tpu.memref_slice %arg4[%dma_start3A_315, %dma_start3A_316] : memref<2000000x64xf32, #tpu.memory_space<hbm>> -> memref<2000000x64xf32, #tpu.memory_space<hbm>>
        %dma_start3A_318 = tpu.memref_slice %arg9[%dma_start3A_309] : memref<4x!tpu.dma_semaphore, #tpu.memory_space<semaphore_mem>> -> memref<1x!tpu.dma_semaphore, #tpu.memory_space<semaphore_mem>>
        %dma_start3A_319 = tpu.memref_squeeze %dma_start3A_318 : memref<1x!tpu.dma_semaphore, #tpu.memory_space<semaphore_mem>> -> memref<!tpu.dma_semaphore, #tpu.memory_space<semaphore_mem>>
        tpu.enqueue_indirect_dma source(%dma_start3A_317 : memref<2000000x64xf32, #tpu.memory_space<hbm>>) target(%dma_start3A_313 : memref<128x64xf32, #tpu.memory_space<vmem>>) offsets(%dma_start3A_314 : memref<128xi32, #tpu.memory_space<vmem>>) semaphore(%dma_start3A_319 : memref<!tpu.dma_semaphore, #tpu.memory_space<semaphore_mem>>)
      } else {
      }
      %mul3A_255 = arith.constant 4 : i32
      %mul3A_256 = arith.muli %scan3A_106, %mul3A_255 : i32
      %add3A_257 = arith.constant 3 : i32
      %add3A_258 = arith.addi %mul3A_256, %add3A_257 : i32
      %dma_wait3A_259 = arith.constant 3 : i32
      %dma_wait3A_260 = arith.constant 3 : i32
      %dma_wait3A_261 = arith.constant 0 : i32
      %dma_wait3A_262 = arith.constant 0 : i32
      %dma_wait3A_263 = tpu.memref_slice %arg8[%dma_wait3A_259, %dma_wait3A_261, %dma_wait3A_262] : memref<4x128x64xf32, #tpu.memory_space<vmem>> -> memref<1x128x64xf32, #tpu.memory_space<vmem>>
      %dma_wait3A_264 = tpu.memref_squeeze %dma_wait3A_263 : memref<1x128x64xf32, #tpu.memory_space<vmem>> -> memref<128x64xf32, #tpu.memory_space<vmem>>
      %dma_wait3A_265 = arith.constant 0 : i32
      %dma_wait3A_266 = arith.constant 0 : i32
      %dma_wait3A_267 = tpu.memref_slice %arg5[%dma_wait3A_265, %dma_wait3A_266] : memref<1638400x64xf32, #tpu.memory_space<hbm>> -> memref<128x64xf32, #tpu.memory_space<hbm>>
      %dma_wait3A_268 = tpu.memref_slice %arg9[%dma_wait3A_260] : memref<4x!tpu.dma_semaphore, #tpu.memory_space<semaphore_mem>> -> memref<1x!tpu.dma_semaphore, #tpu.memory_space<semaphore_mem>>
      %dma_wait3A_269 = tpu.memref_squeeze %dma_wait3A_268 : memref<1x!tpu.dma_semaphore, #tpu.memory_space<semaphore_mem>> -> memref<!tpu.dma_semaphore, #tpu.memory_space<semaphore_mem>>
      %dma_wait3A_270 = arith.constant 0 : i32
      %dma_wait3A_271 = arith.constant 0 : i32
      %dma_wait3A_272 = tpu.memref_slice %arg8[%dma_wait3A_259, %dma_wait3A_270, %dma_wait3A_271] : memref<4x128x64xf32, #tpu.memory_space<vmem>> -> memref<1x128x64xf32, #tpu.memory_space<vmem>>
      %dma_wait3A_273 = tpu.memref_squeeze %dma_wait3A_272 : memref<1x128x64xf32, #tpu.memory_space<vmem>> -> memref<128x64xf32, #tpu.memory_space<vmem>>
      %dma_wait3A_274 = arith.constant 0 : i32
      %dma_wait3A_275 = arith.constant 0 : i32
      %dma_wait3A_276 = tpu.memref_slice %arg5[%dma_wait3A_274, %dma_wait3A_275] : memref<1638400x64xf32, #tpu.memory_space<hbm>> -> memref<128x64xf32, #tpu.memory_space<hbm>>
      tpu.wait_dma2 semaphore(%dma_wait3A_269 : memref<!tpu.dma_semaphore, #tpu.memory_space<semaphore_mem>>) src(%dma_wait3A_276 : memref<128x64xf32, #tpu.memory_space<hbm>>) dst(%dma_wait3A_273 : memref<128x64xf32, #tpu.memory_space<vmem>>)
      %dma_start3A_277 = arith.constant 3 : i32
      %dma_start3A_278 = arith.constant 3 : i32
      %dma_start3A_279 = arith.constant 0 : i32
      %dma_start3A_280 = arith.constant 0 : i32
      %dma_start3A_281 = tpu.memref_slice %arg8[%dma_start3A_277, %dma_start3A_279, %dma_start3A_280] : memref<4x128x64xf32, #tpu.memory_space<vmem>> -> memref<1x128x64xf32, #tpu.memory_space<vmem>>
      %dma_start3A_282 = tpu.memref_squeeze %dma_start3A_281 : memref<1x128x64xf32, #tpu.memory_space<vmem>> -> memref<128x64xf32, #tpu.memory_space<vmem>>
      %dma_start3A_283 = arith.constant 0 : i32
      %dma_start3A_284 = tpu.memref_slice %arg7[%add3A_258, %dma_start3A_283] : memref<200x128xi32, #tpu.memory_space<vmem>> -> memref<1x128xi32, #tpu.memory_space<vmem>>
      %dma_start3A_285 = tpu.memref_squeeze %dma_start3A_284 : memref<1x128xi32, #tpu.memory_space<vmem>> -> memref<128xi32, #tpu.memory_space<vmem>>
      %dma_start3A_286 = arith.constant 0 : i32
      %dma_start3A_287 = arith.constant 0 : i32
      %dma_start3A_288 = tpu.memref_slice %arg5[%dma_start3A_286, %dma_start3A_287] : memref<1638400x64xf32, #tpu.memory_space<hbm>> -> memref<1638400x64xf32, #tpu.memory_space<hbm>>
      %dma_start3A_289 = tpu.memref_slice %arg10[%dma_start3A_278] : memref<4x!tpu.dma_semaphore, #tpu.memory_space<semaphore_mem>> -> memref<1x!tpu.dma_semaphore, #tpu.memory_space<semaphore_mem>>
      %dma_start3A_290 = tpu.memref_squeeze %dma_start3A_289 : memref<1x!tpu.dma_semaphore, #tpu.memory_space<semaphore_mem>> -> memref<!tpu.dma_semaphore, #tpu.memory_space<semaphore_mem>>
      tpu.enqueue_indirect_dma source(%dma_start3A_282 : memref<128x64xf32, #tpu.memory_space<vmem>>) target(%dma_start3A_288 : memref<1638400x64xf32, #tpu.memory_space<hbm>>) offsets(%dma_start3A_285 : memref<128xi32, #tpu.memory_space<vmem>>) semaphore(%dma_start3A_290 : memref<!tpu.dma_semaphore, #tpu.memory_space<semaphore_mem>>)
      %add3A_291 = arith.constant 2 : i32
      %add3A_292 = arith.addi %add3A_258, %add3A_291 : i32
      %ge3A_293 = arith.constant 4 : i32
      %ge3A_294 = arith.cmpi sge, %add3A_292, %ge3A_293 : i32
      %lt3A_295 = arith.constant 200 : i32
      %lt3A_296 = arith.cmpi slt, %add3A_292, %lt3A_295 : i32
      %and3A_297 = arith.andi %ge3A_294, %lt3A_296 : i1
      %convert_element_type3A_298 = arith.extui %and3A_297 : i1 to i32
      %cond3A_299 = arith.constant 0 : i32
      %cond3A_300 = arith.cmpi ne, %convert_element_type3A_298, %cond3A_299 : i32
      scf.if %cond3A_300 {
        %dma_wait3A_306 = arith.constant 1 : i32
        %dma_wait3A_307 = arith.constant 1 : i32
        %dma_wait3A_308 = arith.constant 0 : i32
        %dma_wait3A_309 = arith.constant 0 : i32
        %dma_wait3A_310 = tpu.memref_slice %arg8[%dma_wait3A_306, %dma_wait3A_308, %dma_wait3A_309] : memref<4x128x64xf32, #tpu.memory_space<vmem>> -> memref<1x128x64xf32, #tpu.memory_space<vmem>>
        %dma_wait3A_311 = tpu.memref_squeeze %dma_wait3A_310 : memref<1x128x64xf32, #tpu.memory_space<vmem>> -> memref<128x64xf32, #tpu.memory_space<vmem>>
        %dma_wait3A_312 = arith.constant 0 : i32
        %dma_wait3A_313 = arith.constant 0 : i32
        %dma_wait3A_314 = tpu.memref_slice %arg5[%dma_wait3A_312, %dma_wait3A_313] : memref<1638400x64xf32, #tpu.memory_space<hbm>> -> memref<128x64xf32, #tpu.memory_space<hbm>>
        %dma_wait3A_315 = tpu.memref_slice %arg10[%dma_wait3A_307] : memref<4x!tpu.dma_semaphore, #tpu.memory_space<semaphore_mem>> -> memref<1x!tpu.dma_semaphore, #tpu.memory_space<semaphore_mem>>
        %dma_wait3A_316 = tpu.memref_squeeze %dma_wait3A_315 : memref<1x!tpu.dma_semaphore, #tpu.memory_space<semaphore_mem>> -> memref<!tpu.dma_semaphore, #tpu.memory_space<semaphore_mem>>
        %dma_wait3A_317 = arith.constant 0 : i32
        %dma_wait3A_318 = arith.constant 0 : i32
        %dma_wait3A_319 = tpu.memref_slice %arg5[%dma_wait3A_317, %dma_wait3A_318] : memref<1638400x64xf32, #tpu.memory_space<hbm>> -> memref<128x64xf32, #tpu.memory_space<hbm>>
        %dma_wait3A_320 = arith.constant 0 : i32
        %dma_wait3A_321 = arith.constant 0 : i32
        %dma_wait3A_322 = tpu.memref_slice %arg8[%dma_wait3A_306, %dma_wait3A_320, %dma_wait3A_321] : memref<4x128x64xf32, #tpu.memory_space<vmem>> -> memref<1x128x64xf32, #tpu.memory_space<vmem>>
        %dma_wait3A_323 = tpu.memref_squeeze %dma_wait3A_322 : memref<1x128x64xf32, #tpu.memory_space<vmem>> -> memref<128x64xf32, #tpu.memory_space<vmem>>
        tpu.wait_dma2 semaphore(%dma_wait3A_316 : memref<!tpu.dma_semaphore, #tpu.memory_space<semaphore_mem>>) src(%dma_wait3A_323 : memref<128x64xf32, #tpu.memory_space<vmem>>) dst(%dma_wait3A_319 : memref<128x64xf32, #tpu.memory_space<hbm>>)
      } else {
      }
      %lt3A_301 = arith.constant 200 : i32
      %lt3A_302 = arith.cmpi slt, %add3A_292, %lt3A_301 : i32
      %convert_element_type3A_303 = arith.extui %lt3A_302 : i1 to i32
      %cond3A_304 = arith.constant 0 : i32
      %cond3A_305 = arith.cmpi ne, %convert_element_type3A_303, %cond3A_304 : i32
      scf.if %cond3A_305 {
        %mul3A_306 = arith.constant 128 : i32
        %mul3A_307 = arith.muli %add3A_292, %mul3A_306 : i32
        %dma_start3A_308 = arith.constant 1 : i32
        %dma_start3A_309 = arith.constant 1 : i32
        %dma_start3A_310 = arith.constant 0 : i32
        %dma_start3A_311 = arith.constant 0 : i32
        %dma_start3A_312 = tpu.memref_slice %arg8[%dma_start3A_308, %dma_start3A_310, %dma_start3A_311] : memref<4x128x64xf32, #tpu.memory_space<vmem>> -> memref<1x128x64xf32, #tpu.memory_space<vmem>>
        %dma_start3A_313 = tpu.memref_squeeze %dma_start3A_312 : memref<1x128x64xf32, #tpu.memory_space<vmem>> -> memref<128x64xf32, #tpu.memory_space<vmem>>
        %dma_start3A_314 = tpu.memref_slice %arg6[%mul3A_307] : memref<25600xi32, #tpu.memory_space<vmem>> -> memref<128xi32, #tpu.memory_space<vmem>>
        %dma_start3A_315 = arith.constant 0 : i32
        %dma_start3A_316 = arith.constant 0 : i32
        %dma_start3A_317 = tpu.memref_slice %arg4[%dma_start3A_315, %dma_start3A_316] : memref<2000000x64xf32, #tpu.memory_space<hbm>> -> memref<2000000x64xf32, #tpu.memory_space<hbm>>
        %dma_start3A_318 = tpu.memref_slice %arg9[%dma_start3A_309] : memref<4x!tpu.dma_semaphore, #tpu.memory_space<semaphore_mem>> -> memref<1x!tpu.dma_semaphore, #tpu.memory_space<semaphore_mem>>
        %dma_start3A_319 = tpu.memref_squeeze %dma_start3A_318 : memref<1x!tpu.dma_semaphore, #tpu.memory_space<semaphore_mem>> -> memref<!tpu.dma_semaphore, #tpu.memory_space<semaphore_mem>>
        tpu.enqueue_indirect_dma source(%dma_start3A_317 : memref<2000000x64xf32, #tpu.memory_space<hbm>>) target(%dma_start3A_313 : memref<128x64xf32, #tpu.memory_space<vmem>>) offsets(%dma_start3A_314 : memref<128xi32, #tpu.memory_space<vmem>>) semaphore(%dma_start3A_319 : memref<!tpu.dma_semaphore, #tpu.memory_space<semaphore_mem>>)
      } else {
      }
    }
    %scan3A_34 = arith.constant 50 : i32
    %dma_wait3A = arith.constant 0 : i32
    %dma_wait3A_35 = arith.constant 0 : i32
    %dma_wait3A_36 = arith.constant 0 : i32
    %dma_wait3A_37 = arith.constant 0 : i32
    %dma_wait3A_38 = tpu.memref_slice %arg8[%dma_wait3A, %dma_wait3A_36, %dma_wait3A_37] : memref<4x128x64xf32, #tpu.memory_space<vmem>> -> memref<1x128x64xf32, #tpu.memory_space<vmem>>
    %dma_wait3A_39 = tpu.memref_squeeze %dma_wait3A_38 : memref<1x128x64xf32, #tpu.memory_space<vmem>> -> memref<128x64xf32, #tpu.memory_space<vmem>>
    %dma_wait3A_40 = arith.constant 0 : i32
    %dma_wait3A_41 = arith.constant 0 : i32
    %dma_wait3A_42 = tpu.memref_slice %arg5[%dma_wait3A_40, %dma_wait3A_41] : memref<1638400x64xf32, #tpu.memory_space<hbm>> -> memref<128x64xf32, #tpu.memory_space<hbm>>
    %dma_wait3A_43 = tpu.memref_slice %arg10[%dma_wait3A_35] : memref<4x!tpu.dma_semaphore, #tpu.memory_space<semaphore_mem>> -> memref<1x!tpu.dma_semaphore, #tpu.memory_space<semaphore_mem>>
    %dma_wait3A_44 = tpu.memref_squeeze %dma_wait3A_43 : memref<1x!tpu.dma_semaphore, #tpu.memory_space<semaphore_mem>> -> memref<!tpu.dma_semaphore, #tpu.memory_space<semaphore_mem>>
    %dma_wait3A_45 = arith.constant 0 : i32
    %dma_wait3A_46 = arith.constant 0 : i32
    %dma_wait3A_47 = tpu.memref_slice %arg5[%dma_wait3A_45, %dma_wait3A_46] : memref<1638400x64xf32, #tpu.memory_space<hbm>> -> memref<128x64xf32, #tpu.memory_space<hbm>>
    %dma_wait3A_48 = arith.constant 0 : i32
    %dma_wait3A_49 = arith.constant 0 : i32
    %dma_wait3A_50 = tpu.memref_slice %arg8[%dma_wait3A, %dma_wait3A_48, %dma_wait3A_49] : memref<4x128x64xf32, #tpu.memory_space<vmem>> -> memref<1x128x64xf32, #tpu.memory_space<vmem>>
    %dma_wait3A_51 = tpu.memref_squeeze %dma_wait3A_50 : memref<1x128x64xf32, #tpu.memory_space<vmem>> -> memref<128x64xf32, #tpu.memory_space<vmem>>
    tpu.wait_dma2 semaphore(%dma_wait3A_44 : memref<!tpu.dma_semaphore, #tpu.memory_space<semaphore_mem>>) src(%dma_wait3A_51 : memref<128x64xf32, #tpu.memory_space<vmem>>) dst(%dma_wait3A_47 : memref<128x64xf32, #tpu.memory_space<hbm>>)
    %dma_wait3A_52 = arith.constant 1 : i32
    %dma_wait3A_53 = arith.constant 1 : i32
    %dma_wait3A_54 = arith.constant 0 : i32
    %dma_wait3A_55 = arith.constant 0 : i32
    %dma_wait3A_56 = tpu.memref_slice %arg8[%dma_wait3A_52, %dma_wait3A_54, %dma_wait3A_55] : memref<4x128x64xf32, #tpu.memory_space<vmem>> -> memref<1x128x64xf32, #tpu.memory_space<vmem>>
    %dma_wait3A_57 = tpu.memref_squeeze %dma_wait3A_56 : memref<1x128x64xf32, #tpu.memory_space<vmem>> -> memref<128x64xf32, #tpu.memory_space<vmem>>
    %dma_wait3A_58 = arith.constant 0 : i32
    %dma_wait3A_59 = arith.constant 0 : i32
    %dma_wait3A_60 = tpu.memref_slice %arg5[%dma_wait3A_58, %dma_wait3A_59] : memref<1638400x64xf32, #tpu.memory_space<hbm>> -> memref<128x64xf32, #tpu.memory_space<hbm>>
    %dma_wait3A_61 = tpu.memref_slice %arg10[%dma_wait3A_53] : memref<4x!tpu.dma_semaphore, #tpu.memory_space<semaphore_mem>> -> memref<1x!tpu.dma_semaphore, #tpu.memory_space<semaphore_mem>>
    %dma_wait3A_62 = tpu.memref_squeeze %dma_wait3A_61 : memref<1x!tpu.dma_semaphore, #tpu.memory_space<semaphore_mem>> -> memref<!tpu.dma_semaphore, #tpu.memory_space<semaphore_mem>>
    %dma_wait3A_63 = arith.constant 0 : i32
    %dma_wait3A_64 = arith.constant 0 : i32
    %dma_wait3A_65 = tpu.memref_slice %arg5[%dma_wait3A_63, %dma_wait3A_64] : memref<1638400x64xf32, #tpu.memory_space<hbm>> -> memref<128x64xf32, #tpu.memory_space<hbm>>
    %dma_wait3A_66 = arith.constant 0 : i32
    %dma_wait3A_67 = arith.constant 0 : i32
    %dma_wait3A_68 = tpu.memref_slice %arg8[%dma_wait3A_52, %dma_wait3A_66, %dma_wait3A_67] : memref<4x128x64xf32, #tpu.memory_space<vmem>> -> memref<1x128x64xf32, #tpu.memory_space<vmem>>
    %dma_wait3A_69 = tpu.memref_squeeze %dma_wait3A_68 : memref<1x128x64xf32, #tpu.memory_space<vmem>> -> memref<128x64xf32, #tpu.memory_space<vmem>>
    tpu.wait_dma2 semaphore(%dma_wait3A_62 : memref<!tpu.dma_semaphore, #tpu.memory_space<semaphore_mem>>) src(%dma_wait3A_69 : memref<128x64xf32, #tpu.memory_space<vmem>>) dst(%dma_wait3A_65 : memref<128x64xf32, #tpu.memory_space<hbm>>)
    %dma_wait3A_70 = arith.constant 2 : i32
    %dma_wait3A_71 = arith.constant 2 : i32
    %dma_wait3A_72 = arith.constant 0 : i32
    %dma_wait3A_73 = arith.constant 0 : i32
    %dma_wait3A_74 = tpu.memref_slice %arg8[%dma_wait3A_70, %dma_wait3A_72, %dma_wait3A_73] : memref<4x128x64xf32, #tpu.memory_space<vmem>> -> memref<1x128x64xf32, #tpu.memory_space<vmem>>
    %dma_wait3A_75 = tpu.memref_squeeze %dma_wait3A_74 : memref<1x128x64xf32, #tpu.memory_space<vmem>> -> memref<128x64xf32, #tpu.memory_space<vmem>>
    %dma_wait3A_76 = arith.constant 0 : i32
    %dma_wait3A_77 = arith.constant 0 : i32
    %dma_wait3A_78 = tpu.memref_slice %arg5[%dma_wait3A_76, %dma_wait3A_77] : memref<1638400x64xf32, #tpu.memory_space<hbm>> -> memref<128x64xf32, #tpu.memory_space<hbm>>
    %dma_wait3A_79 = tpu.memref_slice %arg10[%dma_wait3A_71] : memref<4x!tpu.dma_semaphore, #tpu.memory_space<semaphore_mem>> -> memref<1x!tpu.dma_semaphore, #tpu.memory_space<semaphore_mem>>
    %dma_wait3A_80 = tpu.memref_squeeze %dma_wait3A_79 : memref<1x!tpu.dma_semaphore, #tpu.memory_space<semaphore_mem>> -> memref<!tpu.dma_semaphore, #tpu.memory_space<semaphore_mem>>
    %dma_wait3A_81 = arith.constant 0 : i32
    %dma_wait3A_82 = arith.constant 0 : i32
    %dma_wait3A_83 = tpu.memref_slice %arg5[%dma_wait3A_81, %dma_wait3A_82] : memref<1638400x64xf32, #tpu.memory_space<hbm>> -> memref<128x64xf32, #tpu.memory_space<hbm>>
    %dma_wait3A_84 = arith.constant 0 : i32
    %dma_wait3A_85 = arith.constant 0 : i32
    %dma_wait3A_86 = tpu.memref_slice %arg8[%dma_wait3A_70, %dma_wait3A_84, %dma_wait3A_85] : memref<4x128x64xf32, #tpu.memory_space<vmem>> -> memref<1x128x64xf32, #tpu.memory_space<vmem>>
    %dma_wait3A_87 = tpu.memref_squeeze %dma_wait3A_86 : memref<1x128x64xf32, #tpu.memory_space<vmem>> -> memref<128x64xf32, #tpu.memory_space<vmem>>
    tpu.wait_dma2 semaphore(%dma_wait3A_80 : memref<!tpu.dma_semaphore, #tpu.memory_space<semaphore_mem>>) src(%dma_wait3A_87 : memref<128x64xf32, #tpu.memory_space<vmem>>) dst(%dma_wait3A_83 : memref<128x64xf32, #tpu.memory_space<hbm>>)
    %dma_wait3A_88 = arith.constant 3 : i32
    %dma_wait3A_89 = arith.constant 3 : i32
    %dma_wait3A_90 = arith.constant 0 : i32
    %dma_wait3A_91 = arith.constant 0 : i32
    %dma_wait3A_92 = tpu.memref_slice %arg8[%dma_wait3A_88, %dma_wait3A_90, %dma_wait3A_91] : memref<4x128x64xf32, #tpu.memory_space<vmem>> -> memref<1x128x64xf32, #tpu.memory_space<vmem>>
    %dma_wait3A_93 = tpu.memref_squeeze %dma_wait3A_92 : memref<1x128x64xf32, #tpu.memory_space<vmem>> -> memref<128x64xf32, #tpu.memory_space<vmem>>
    %dma_wait3A_94 = arith.constant 0 : i32
    %dma_wait3A_95 = arith.constant 0 : i32
    %dma_wait3A_96 = tpu.memref_slice %arg5[%dma_wait3A_94, %dma_wait3A_95] : memref<1638400x64xf32, #tpu.memory_space<hbm>> -> memref<128x64xf32, #tpu.memory_space<hbm>>
    %dma_wait3A_97 = tpu.memref_slice %arg10[%dma_wait3A_89] : memref<4x!tpu.dma_semaphore, #tpu.memory_space<semaphore_mem>> -> memref<1x!tpu.dma_semaphore, #tpu.memory_space<semaphore_mem>>
    %dma_wait3A_98 = tpu.memref_squeeze %dma_wait3A_97 : memref<1x!tpu.dma_semaphore, #tpu.memory_space<semaphore_mem>> -> memref<!tpu.dma_semaphore, #tpu.memory_space<semaphore_mem>>
    %dma_wait3A_99 = arith.constant 0 : i32
    %dma_wait3A_100 = arith.constant 0 : i32
    %dma_wait3A_101 = tpu.memref_slice %arg5[%dma_wait3A_99, %dma_wait3A_100] : memref<1638400x64xf32, #tpu.memory_space<hbm>> -> memref<128x64xf32, #tpu.memory_space<hbm>>
    %dma_wait3A_102 = arith.constant 0 : i32
    %dma_wait3A_103 = arith.constant 0 : i32
    %dma_wait3A_104 = tpu.memref_slice %arg8[%dma_wait3A_88, %dma_wait3A_102, %dma_wait3A_103] : memref<4x128x64xf32, #tpu.memory_space<vmem>> -> memref<1x128x64xf32, #tpu.memory_space<vmem>>
    %dma_wait3A_105 = tpu.memref_squeeze %dma_wait3A_104 : memref<1x128x64xf32, #tpu.memory_space<vmem>> -> memref<128x64xf32, #tpu.memory_space<vmem>>
    tpu.wait_dma2 semaphore(%dma_wait3A_98 : memref<!tpu.dma_semaphore, #tpu.memory_space<semaphore_mem>>) src(%dma_wait3A_105 : memref<128x64xf32, #tpu.memory_space<vmem>>) dst(%dma_wait3A_101 : memref<128x64xf32, #tpu.memory_space<hbm>>)
    return
  }
}

</mosaic_0001>

<sc_bundles>
// kernel: kernel.3.cloned.1.call-start
scs
__scs_entry_jumppad:
0x0: {  	(pc) =	sbr.rel $0x88, $3  }
0x1: {  	(tag) =	ssettag $0x0;
	lr =	simm.s32 $0x1  }
0x2: {  	[smem:$0x3F9F] =	sst lr;
	_ =	strace $0xD0000000  }
0x3: {  	_ = 	snop  }
0x4: {  	_ = 	snop  }
0x5: {  	_ = 	snop  }
0x6: {  	_ = 	snop  }
0x7: {  	_ = 	snop  }
__scs_overlays_trampoline_lowered:
0x8: {  	[smem:$0x3FAE] =	sst s0  }
0x9: {  	[smem:$0x3FAF] =	sst s1  }
0xa: {  	[smem:$0x3FB0] =	sst s2  }
0xb: {  	[smem:$0x3FB1] =	sst s3  }
0xc: {  	[smem:$0x3FB2] =	sst s4  }
0xd: {  	[smem:$0x3FB3] =	sst s5  }
0xe: {  	[smem:$0x3FB4] =	sst s6  }
0xf: {  	[smem:$0x3FB5] =	sst s7  }
0x10: {  	[smem:$0x3FB6] =	sst s8  }
0x11: {  	[smem:$0x3FB7] =	sst s9;
	s0 =	simm.s32 @!p0 $0x0  }
0x12: {  	s1 =	sld [smem:$0x3F9D];
	s0 =	simm.s32 @p0 $0x1  }
0x13: {  	[smem:$0x3FB8] =	sst s0;
	s0 =	simm.s32 @!p1 $0x0  }
0x14: {  	s2 =	sld [smem:$0x3F9C];
	s0 =	simm.s32 @p1 $0x1  }
0x15: {  	[smem:$0x3FB9] =	sst s0;
	s0 =	simm.s32 @!p2 $0x0  }
0x16: {  	s3 =	sld [smem:$0x3FDB];
	s0 =	simm.s32 @p2 $0x1  }
0x17: {  	s4 =	simm.s32 $0x1BF5;
	[smem:$0x3FBB] =	sst s0  }
0x18: {  	s0 =	sld [smem:$0x3F9E];
	_ =	swait.ge [sflag:s4], $0x0  }
0x19: {  	s7 =	sld [smem:$0x3F9F]  }
0x1a: {  	s8 =	sadd.s32 $0xFFFFE003, lr  }
0x1b: {  	s9 =	sadd.s32 $0xFFFFFEF7, lr;
	s5 =	simm.s32 $0xFFFFFFFF;
	p2 =	slt.u32 s8, $0xFFFFF086  }
0x1c: {  	p1 =	slt.u32 s9, $0xF7A;
	s5 =	simm.s32 @!p2 $0x0  }
0x1d: {  	s5 =	simm.s32 @p1 $0x1;
	p0 =	seq.s32 s7, s2  }
0x1e: {  	s7 =	smul.u32 @!p0 $0xF7A, s2;
	p2 =	seq.s32 @!p0 s5, $0x0  }
0x1f: {  	s9 =	smul.u32 $0xF7A, s1;
	s8 =	simm.s32 @!p0 $0x1BF5;
	p2 =	por !p2, p0  }
0x20: {  	[sflag:s8] =	ssyncset.s32 @!p0 $0xFFFFF086;
	s6 =	sadd.s32 @!p0 s3, s7;
	s7 =	simm.s32 @!p0 $0x108  }
0x21: {  	s3 =	sadd.s32 s3, s9;
	s6 =	sadd.s32 @!p0 $0x88, s6;
	s7 =	simm.s32 @p2 $0x1082  }
0x22: {  	[simem:s7], [sflag:s8] =	dma.local @!p0 [hbm:s6], $0xF7A  }
0x23: {  	s9 =	sor.u32 $0xD0000000, s2;
	s6 =	simm.s32 $0x108;
	_ =	swait.ge @!p0 [sflag:s8], $0x0  }
0x24: {  	s3 =	sadd.s32 $0x88, s3;
	s6 =	simm.s32 @!p1 $0x1082;
	[sflag:s4] =	ssyncset.s32 $0xFFFFF086  }
0x25: {  	[simem:s6], [sflag:s4] =	dma.local [hbm:s3], $0xF7A  }
0x26: {  	[smem:$0x3F9F] =	sst s1;
	(tag) =	ssettag s2;
	_ =	strace s9  }
0x27: {  	s1 =	sld [smem:$0x3FAF]  }
0x28: {  	s2 =	sld [smem:$0x3FB0]  }
0x29: {  	s4 =	sld [smem:$0x3FB2]  }
0x2a: {  	p0 =	seq.s32 s5, $0x0;
	s5 =	sld [smem:$0x3FB3]  }
0x2b: {  	s6 =	sld [smem:$0x3FB4]  }
0x2c: {  	s7 =	sld [smem:$0x3FB5]  }
0x2d: {  	s3 =	simm.s32 $0x108;
	s8 =	sld [smem:$0x3FB6]  }
0x2e: {  	s3 =	simm.s32 @!p0 $0x1082;
	s9 =	sld [smem:$0x3FB7]  }
0x2f: {  	lr =	sadd.s32 s0, s3;
	s0 =	sld [smem:$0x3FAE]  }
0x30: {  	s3 =	sld [smem:$0x3FB1]  }
0x31: {  	[smem:$0x3FBA] =	sst s10  }
0x32: {  	s10 =	sld [smem:$0x3FB8];
	_ =	sdelay $0x3  }
0x33: {  	p0 =	seq.s32 s10, $0x1;
	s10 =	sld [smem:$0x3FBA];
	_ =	sdelay $0x3  }
0x34: {  	[smem:$0x3FBA] =	sst s10  }
0x35: {  	s10 =	sld [smem:$0x3FB9];
	_ =	sdelay $0x3  }
0x36: {  	p1 =	seq.s32 s10, $0x1;
	s10 =	sld [smem:$0x3FBA];
	_ =	sdelay $0x3  }
0x37: {  	[smem:$0x3FBA] =	sst s10  }
0x38: {  	s10 =	sld [smem:$0x3FBB]  }
0x39: {  	_ = 	snop;
	(pc) =	sbr.ind lr, $3  }
0x3a: {  	_ = 	snop  }
0x3b: {  	_ = 	snop  }
0x3c: {  	p2 =	seq.s32 s10, $0x1;
	s10 =	sld [smem:$0x3FBA]  }
0x3d: {  	_ =	shalt  }
0x3e: {  	_ =	shalt  }
0x3f: {  	_ =	shalt  }
0x40: {  	_ =	shalt  }
0x41: {  	_ =	shalt  }
0x42: {  	_ =	shalt  }
0x43: {  	_ =	shalt  }
0x44: {  	_ =	shalt  }
0x45: {  	_ =	shalt  }
0x46: {  	_ =	shalt  }
0x47: {  	_ =	shalt  }
0x48: {  	_ =	shalt  }
0x49: {  	_ =	shalt  }
0x4a: {  	_ =	shalt  }
0x4b: {  	_ =	shalt  }
0x4c: {  	_ =	shalt  }
0x4d: {  	_ =	shalt  }
0x4e: {  	_ =	shalt  }
0x4f: {  	_ =	shalt  }
0x50: {  	_ =	shalt  }
0x51: {  	_ =	shalt  }
0x52: {  	_ =	shalt  }
0x53: {  	_ =	shalt  }
0x54: {  	_ =	shalt  }
0x55: {  	_ =	shalt  }
0x56: {  	_ =	shalt  }
0x57: {  	_ =	shalt  }
0x58: {  	_ =	shalt  }
0x59: {  	_ =	shalt  }
0x5a: {  	_ =	shalt  }
0x5b: {  	_ =	shalt  }
0x5c: {  	_ =	shalt  }
0x5d: {  	_ =	shalt  }
0x5e: {  	_ =	shalt  }
0x5f: {  	_ =	shalt  }
0x60: {  	_ =	shalt  }
0x61: {  	_ =	shalt  }
0x62: {  	_ =	shalt  }
0x63: {  	_ =	shalt  }
0x64: {  	_ =	shalt  }
0x65: {  	_ =	shalt  }
0x66: {  	_ =	shalt  }
0x67: {  	_ =	shalt  }
0x68: {  	_ =	shalt  }
0x69: {  	_ =	shalt  }
0x6a: {  	_ =	shalt  }
0x6b: {  	_ =	shalt  }
0x6c: {  	_ =	shalt  }
0x6d: {  	_ =	shalt  }
0x6e: {  	_ =	shalt  }
0x6f: {  	_ =	shalt  }
0x70: {  	_ =	shalt  }
0x71: {  	_ =	shalt  }
0x72: {  	_ =	shalt  }
0x73: {  	_ =	shalt  }
0x74: {  	_ =	shalt  }
0x75: {  	_ =	shalt  }
0x76: {  	_ =	shalt  }
0x77: {  	_ =	shalt  }
0x78: {  	_ =	shalt  }
0x79: {  	_ =	shalt  }
0x7a: {  	_ =	shalt  }
0x7b: {  	_ =	shalt  }
0x7c: {  	_ =	shalt  }
0x7d: {  	_ =	shalt  }
0x7e: {  	_ =	shalt  }
0x7f: {  	_ =	shalt  }
0x80: {  	_ =	shalt  }
0x81: {  	_ =	shalt  }
0x82: {  	_ =	shalt  }
0x83: {  	_ =	shalt  }
0x84: {  	_ =	shalt  }
0x85: {  	_ =	shalt  }
0x86: {  	_ =	shalt  }
0x87: {  	_ =	shalt  }
.Lfunc_end0:
.L_simem_size_0:
called_computation.1_lowered:
.L_overlay_start_0:
0x88: {  	s2 =	sld [smem:$0x3FD9]  }
0x89: {  	s3 =	sld [smem:$0x3FFE];
	_ =	sdelay $0x1  }
0x8a: {  	s1 =	srdreg.scid  }
0x8b: {  	s0 =	sand.u32 $0x1, s1  }
0x8c: {  	s17 =	sshll.u32 s0, $0xA;
	s2 =	sadd.s32 s3, s2  }
0x8d: {  	s2 =	sadd.s32 s2, s17  }
0x8e: {  	[smem:$0x3FC6] =	sst s2  }
0x8f: {  	_ = 	snop  }
0x90: {  	s2 =	sld [smem:$0x3FD0];
	(tm) =	ssettm $0x1  }
0x91: {  	s18 =	sld [smem:$0x3FFB];
	_ =	sdelay $0x3  }
0x92: {  	_ =	strace s18  }
0x93: {  	s3 =	sld [smem:$0x3FFC];
	_ =	sdelay $0x3  }
0x94: {  	_ =	strace s3  }
0x95: {  	s3 =	sld [smem:$0x3FFD];
	_ =	sdelay $0x3  }
0x96: {  	_ =	strace s3  }
0x97: {  	_ =	strace $0x8FFFFFFF  }
0x98: {  	s19 =	sld [smem:$0x3FDB];
	_ =	sdelay $0x1  }
0x99: {  	s4 =	simm.s32 $_scs_section_size  }
0x9a: {  	s5 =	simm.s32 $_size__tile_overlayer_lowered;
	s6 =	simm.s32 $_tile_overlayer_lowered  }
0x9b: {  	s22 =	simm.s32 $0x1BFF;
	s21 =	sshll.u32 s6, $0x1;
	s3 =	sadd.s32 s4, s19  }
0x9c: {  	s7 =	simm.s32 $0x0;
	s20 =	sshll.u32 s5, $0x1;
	s5 =	sadd.s32 s21, s3  }
0x9d: {  	[timem:s7], [sflag:s22] =	dma.local [hbm:s5], s20  }
0x9e: {  	_ =	swait.ge [sflag:s22], s20  }
0x9f: {  	s4 =	ssub.s32 $0x0, s20;
	[sflag:s22] =	ssyncset.done $0x0  }
0xa0: {  	[sflag:s22] =	ssyncadd.s32 s4;
	_ =	sdelay $0x1  }
0xa1: {  	s23 =	simm.s32 $0x1B8B  }
0xa2: {  	_ =	swait.ge [sflag:s23], $0x1  }
0xa3: {  	[sflag:s23] =	ssyncset.done $0x0  }
0xa4: {  	s25 =	simm.s32 $0x1B8E;
	s24 =	sld [smem:$0x3FFE];
	[sflag:s23] =	ssyncadd.s32 $0xFFFFFFFF  }
0xa5: {  	s26 =	simm.s32 $execute0_lowered;
	[smem:$0x3FD2] =	sst s25  }
0xa6: {  	s5 =	sshll.u32 s26, $0x1;
	_ =	strace $0x80000046;
	[dreg:$0x1] =	wrdreg $0xFFFFFFFF  }
0xa7: {  	s28 =	simm.s32 $_size_execute0_lowered;
	s3 =	sadd.s32 s3, s5;
	[dreg:$0x0] =	wrdreg $0x0  }
0xa8: {  	s5 =	sshll.u32 s28, $0x1;
	[dreg:$0x2] =	wrdreg s3  }
0xa9: {  	[dreg:$0x3] =	wrdreg s5  }
0xaa: {  	[dreg:$0x4] =	wrdreg $0xC0  }
0xab: {  	_ =	task [dreg:s7], $0x5FFFF  }
0xac: {  	[dreg:$0x1] =	wrdreg $0xFFFFFFFF  }
0xad: {  	[dreg:$0x0] =	wrdreg $0x60  }
0xae: {  	[dreg:$0x2] =	wrdreg s2  }
0xaf: {  	[dreg:$0x3] =	wrdreg s24  }
0xb0: {  	[dreg:$0x4] =	wrdreg $0x9  }
0xb1: {  	_ =	task.clear_ibuf [dreg:s7], $0x5FFFF;
	_ =	strace $0x90000046  }
0xb2: {  	s29 =	simm.s32 $0x9;
	_ =	strace $0x80000048  }
0xb3: {  	_ =	swait.ge [sflag:s29], $0x1  }
0xb4: {  	[sflag:s29] =	ssyncadd.s32 $0xFFFFFFFF  }
0xb5: {  	_ =	strace $0x90000048  }
0xb6: {  	_ =	sfence  }
0xb7: {  	s30 =	sld [smem:$0x0];
	_ =	sdelay $0x2  }
0xb8: {  	s31 =	sshll.u32 s1, $0xD;
	s1 =	sshrl.u32 s1, $0x2  }
0xb9: {  	s3 =	sand.u32 $0x4000, s31;
	s1 =	sadd.s32 s1, s30  }
0xba: {  	s0 =	sor.u32 s3, s0;
	s1 =	sshll.u32 s1, $0x11  }
0xbb: {  	s0 =	sor.u32 s1, s0  }
0xbc: {  	s0 =	sadd.s32 $0x8F2B, s0  }
0xbd: {  	[sflag:s0] =	ssyncadd.remote.s32 $0x1  }
0xbe: {  	_ =	sfence.sel $0xFFFF  }
0xbf: {  	[dreg:$0x0] =	wrdreg $0xFFFFFFFF;
	(pc) =	sbr.abs _section_cstart, $3  }
0xc0: {  	[dreg:$0x1] =	wrdreg $0xFFFFFFFF  }
0xc1: {  	_ =	task.clear_ibuf [dreg:s7], $0x2FFFF;
	_ =	strace $0x9FFFFFFF  }
0xc2: {  	(tm) =	ssettm $0x7FFFFFFF  }
0xc3: {  	_ =	shalt  }
tec
execute0_lowered:
.L_overlay_start_1:
0x0: {  	(tag) =	ssettag $0x1  }
0x1: {  	s0 =	srdreg.scid  }
0x2: {  	s2 =	stileid.u32;
	s1 =	rddreg [dreg:$0x0]  }
0x3: {  	s4 =	rddreg [dreg:$0x1];
	s8 =	simm.s32 $0x9;
	s9 =	simm.s32 $0x6400  }
0x4: {  	s10 =	simm.s32 $0x80;
	s11 =	simm.s32 $0xC800;
	s12 =	simm.s32 $0xE800  }
0x5: {  	s13 =	simm.s32 $0x1;
	s15 =	simm.s32 $0x10800;
	s16 =	simm.s32 $0x2  }
0x6: {  	s18 =	simm.s32 $0x180;
	s19 =	simm.s32 $0x12800;
	s20 =	simm.s32 $0x3  }
0x7: {  	s21 =	simm.s32 $0x6500;
	s22 =	simm.s32 $0x5;
	s23 =	simm.s32 $0x200  }
0x8: {  	s24 =	simm.s32 $0x4;
	s25 =	simm.s32 $0x6580;
	s26 =	simm.s32 $0x6  }
0x9: {  	s28 =	simm.s32 $0x280;
	s29 =	simm.s32 $0x7;
	s30 =	simm.s32 $0x8  }
0xa: {  	s31 =	simm.s32 $0x0;
	s0 =	sand.u32 $0x1, s0;
	s2 =	sshll.u32 s2, $0x1  }
.Ltmp0:
0xb: {  	s3 =	sor.u32 s0, s2;
	s2 =	simm.s32 $0x0;
	(pc) =	sbr.rel .LBB2_1-.Ltmp0, $4  }
0xc: {  	s0 =	ssub.s32 $0x2, s0;
	s5 =	smul.u32 $0xC80, s3;
	[smem:$0x7FF] =	sst s2  }
0xd: {  	s3 =	sadd.s32 $0x19A00, s4;
	s7 =	sshrl.u32 s0, $0x1;
	_ =	strace $0x80000047  }
0xe: {  	s0 =	ssub.s32 s0, s7;
	s6 =	sadd.s32 s5, s4;
	s4 =	sadd.s32 $0xF5BE00, s4  }
0xf: {  	s5 =	sadd.s32 s1, s5;
	s7 =	smax.u32 s0, $0x1;
	s6 =	sadd.s32 $0xA00, s6  }
.LBB2_4:
0x10: {  	_ =	swait.ge [sflag:s24], $0x2000  }
0x11: {  	[sflag:s24] =	ssyncset.done $0x0  }
0x12: {  	[sflag:s24] =	ssyncadd.s32 $0xFFFFE000  }
0x13: {  	[hbm4b:s4+s10] =	stream.indirect.scatter [tilespmem:s19], [sflag:$0x8], $0x40, s14, s10, $0xb8;
	[tilespmem:$0x14800] =	vst v63  }
0x14: {  	_ =	swait.ge [sflag:s22], $0x2000  }
0x15: {  	[sflag:s22] =	ssyncset.done $0x0  }
0x16: {  	[sflag:s22] =	ssyncadd.s32 $0xFFFFE000  }
0x17: {  	_ =	swait.ge [sflag:s26], $0x2000  }
0x18: {  	[sflag:s26] =	ssyncset.done $0x0  }
0x19: {  	s31 =	sadd.s32 $0x1, s31;
	[sflag:s26] =	ssyncadd.s32 $0xFFFFE000  }
0x1a: {  	p0 =	sne.s32 s31, s7;
	_ =	swait.ge [sflag:s29], $0x2000  }
.Ltmp1:
0x1b: {  	[sflag:s29] =	ssyncset.done $0x0;
	(pc) =	sbr.rel @!p0 .LBB2_5-.Ltmp1, $4  }
0x1c: {  	[sflag:s29] =	ssyncadd.s32 $0xFFFFE000  }
0x1d: {  	_ =	swait.ge [sflag:s30], $0x2000  }
0x1e: {  	[sflag:s30] =	ssyncset.done $0x0  }
0x1f: {  	[sflag:s30] =	ssyncadd.s32 $0xFFFFE000  }
.LBB2_1:
0x20: {  	[tilespmem:s2], [sflag:$0x9] =	stream.linear.gather [hbm4b:s5+s2], $0x6400, $0x38;
	[tilespmem:$0x14800] =	vst v63  }
0x21: {  	_ =	swait.ge [sflag:s8], $0x6400  }
0x22: {  	[sflag:s8] =	ssyncset.done $0x0  }
0x23: {  	[sflag:s8] =	ssyncadd.s32 $0xFFFF9C00  }
0x24: {  	[tilespmem:s9], [sflag:$0x9] =	stream.linear.gather [hbm4b:s6+s2], $0x6400, $0x38;
	[tilespmem:$0x14800] =	vst v63  }
0x25: {  	_ =	swait.ge [sflag:s8], $0x6400  }
0x26: {  	[sflag:s8] =	ssyncset.done $0x0  }
0x27: {  	[sflag:s8] =	ssyncadd.s32 $0xFFFF9C00  }
0x28: {  	[tilespmem:s11], [sflag:$0x1] =	stream.indirect.gather [hbm4b:s3+s10], $0x40, s2, s10, $0xb8;
	[tilespmem:$0x14800] =	vst v63  }
0x29: {  	_ = 	snop  }
0x2a: {  	[tilespmem:s12], [sflag:$0x2] =	stream.indirect.gather [hbm4b:s3+s10], $0x40, s10, s10, $0xb8;
	[tilespmem:$0x14800] =	vst v63  }
0x2b: {  	_ =	swait.ge [sflag:s13], $0x2000  }
0x2c: {  	[sflag:s13] =	ssyncset.done $0x0  }
0x2d: {  	[sflag:s13] =	ssyncadd.s32 $0xFFFFE000  }
0x2e: {  	[hbm4b:s4+s10] =	stream.indirect.scatter [tilespmem:s11], [sflag:$0x5], $0x40, s9, s10, $0xb8;
	[tilespmem:$0x14800] =	vst v63  }
0x2f: {  	s0 =	simm.s32 $0x100  }
0x30: {  	[tilespmem:s15], [sflag:$0x3] =	stream.indirect.gather [hbm4b:s3+s10], $0x40, s0, s10, $0xb8;
	[tilespmem:$0x14800] =	vst v63  }
0x31: {  	_ =	swait.ge [sflag:s16], $0x2000  }
0x32: {  	[sflag:s16] =	ssyncset.done $0x0  }
0x33: {  	s17 =	simm.s32 $0x6480;
	[sflag:s16] =	ssyncadd.s32 $0xFFFFE000  }
0x34: {  	[hbm4b:s4+s10] =	stream.indirect.scatter [tilespmem:s12], [sflag:$0x6], $0x40, s17, s10, $0xb8;
	[tilespmem:$0x14800] =	vst v63  }
0x35: {  	_ = 	snop  }
0x36: {  	[tilespmem:s19], [sflag:$0x4] =	stream.indirect.gather [hbm4b:s3+s10], $0x40, s18, s10, $0xb8;
	[tilespmem:$0x14800] =	vst v63  }
0x37: {  	_ =	swait.ge [sflag:s20], $0x2000  }
0x38: {  	[sflag:s20] =	ssyncset.done $0x0  }
0x39: {  	[sflag:s20] =	ssyncadd.s32 $0xFFFFE000  }
0x3a: {  	[hbm4b:s4+s10] =	stream.indirect.scatter [tilespmem:s15], [sflag:$0x7], $0x40, s21, s10, $0xb8;
	[tilespmem:$0x14800] =	vst v63  }
0x3b: {  	_ =	swait.ge [sflag:s22], $0x2000  }
0x3c: {  	[sflag:s22] =	ssyncset.done $0x0  }
0x3d: {  	[sflag:s22] =	ssyncadd.s32 $0xFFFFE000  }
0x3e: {  	[tilespmem:s11], [sflag:$0x1] =	stream.indirect.gather [hbm4b:s3+s10], $0x40, s23, s10, $0xb8;
	[tilespmem:$0x14800] =	vst v63  }
0x3f: {  	_ =	swait.ge [sflag:s24], $0x2000  }
0x40: {  	[sflag:s24] =	ssyncset.done $0x0  }
0x41: {  	[sflag:s24] =	ssyncadd.s32 $0xFFFFE000  }
0x42: {  	[hbm4b:s4+s10] =	stream.indirect.scatter [tilespmem:s19], [sflag:$0x8], $0x40, s25, s10, $0xb8;
	[tilespmem:$0x14800] =	vst v63  }
0x43: {  	_ =	swait.ge [sflag:s26], $0x2000  }
0x44: {  	[sflag:s26] =	ssyncset.done $0x0  }
0x45: {  	s1 =	simm.s32 $0x0;
	[sflag:s26] =	ssyncadd.s32 $0xFFFFE000  }
0x46: {  	[tilespmem:s12], [sflag:$0x2] =	stream.indirect.gather [hbm4b:s3+s10], $0x40, s28, s10, $0xb8;
	[tilespmem:$0x14800] =	vst v63  }
.LBB2_2:
0x47: {  	_ =	swait.ge [sflag:s13], $0x2000  }
0x48: {  	s0 =	sshra.s32 s1, $0x2;
	[sflag:s13] =	ssyncset.done $0x0  }
0x49: {  	s14 =	sadd.s32 $0x6600, s0;
	[sflag:s13] =	ssyncadd.s32 $0xFFFFE000  }
0x4a: {  	[hbm4b:s4+s10] =	stream.indirect.scatter [tilespmem:s11], [sflag:$0x5], $0x40, s14, s10, $0xb8;
	[tilespmem:$0x14800] =	vst v63  }
0x4b: {  	_ =	swait.ge [sflag:s29], $0x2000  }
0x4c: {  	[sflag:s29] =	ssyncset.done $0x0  }
0x4d: {  	s17 =	sadd.s32 $0x300, s0;
	[sflag:s29] =	ssyncadd.s32 $0xFFFFE000  }
0x4e: {  	[tilespmem:s15], [sflag:$0x3] =	stream.indirect.gather [hbm4b:s3+s10], $0x40, s17, s10, $0xb8;
	[tilespmem:$0x14800] =	vst v63  }
0x4f: {  	_ =	swait.ge [sflag:s16], $0x2000  }
0x50: {  	[sflag:s16] =	ssyncset.done $0x0  }
0x51: {  	s17 =	sadd.s32 $0x6680, s0;
	[sflag:s16] =	ssyncadd.s32 $0xFFFFE000  }
0x52: {  	[hbm4b:s4+s10] =	stream.indirect.scatter [tilespmem:s12], [sflag:$0x6], $0x40, s17, s10, $0xb8;
	[tilespmem:$0x14800] =	vst v63  }
0x53: {  	_ =	swait.ge [sflag:s30], $0x2000  }
0x54: {  	[sflag:s30] =	ssyncset.done $0x0  }
0x55: {  	p0 =	seq.s32 s1, $0x18000;
	s17 =	sadd.s32 $0x380, s0;
	[sflag:s30] =	ssyncadd.s32 $0xFFFFE000  }
0x56: {  	[tilespmem:s19], [sflag:$0x4] =	stream.indirect.gather [hbm4b:s3+s10], $0x40, s17, s10, $0xb8;
	[tilespmem:$0x14800] =	vst v63  }
.Ltmp2:
0x57: {  	_ = 	snop;
	(pc) =	sbr.rel @p0 .LBB2_4-.Ltmp2, $4  }
0x58: {  	_ =	swait.ge [sflag:s20], $0x2000  }
0x59: {  	[sflag:s20] =	ssyncset.done $0x0  }
0x5a: {  	s14 =	sadd.s32 $0x6780, s0;
	s17 =	sadd.s32 $0x6700, s0;
	[sflag:s20] =	ssyncadd.s32 $0xFFFFE000  }
0x5b: {  	[hbm4b:s4+s10] =	stream.indirect.scatter [tilespmem:s15], [sflag:$0x7], $0x40, s17, s10, $0xb8;
	[tilespmem:$0x14800] =	vst v63  }
0x5c: {  	_ =	swait.ge [sflag:s22], $0x2000  }
0x5d: {  	[sflag:s22] =	ssyncset.done $0x0  }
0x5e: {  	s17 =	sadd.s32 $0x400, s0;
	[sflag:s22] =	ssyncadd.s32 $0xFFFFE000  }
0x5f: {  	[tilespmem:s11], [sflag:$0x1] =	stream.indirect.gather [hbm4b:s3+s10], $0x40, s17, s10, $0xb8;
	[tilespmem:$0x14800] =	vst v63  }
0x60: {  	_ =	swait.ge [sflag:s24], $0x2000  }
0x61: {  	[sflag:s24] =	ssyncset.done $0x0  }
0x62: {  	[sflag:s24] =	ssyncadd.s32 $0xFFFFE000  }
0x63: {  	[hbm4b:s4+s10] =	stream.indirect.scatter [tilespmem:s19], [sflag:$0x8], $0x40, s14, s10, $0xb8;
	[tilespmem:$0x14800] =	vst v63  }
.Ltmp3:
0x64: {  	_ = 	snop;
	(pc) =	sbr.rel .LBB2_2-.Ltmp3, $4  }
0x65: {  	_ =	swait.ge [sflag:s26], $0x2000  }
0x66: {  	[sflag:s26] =	ssyncset.done $0x0  }
0x67: {  	s1 =	sadd.s32 $0x800, s1;
	s17 =	sadd.s32 $0x480, s0;
	[sflag:s26] =	ssyncadd.s32 $0xFFFFE000  }
0x68: {  	[tilespmem:s12], [sflag:$0x2] =	stream.indirect.gather [hbm4b:s3+s10], $0x40, s17, s10, $0xb8;
	[tilespmem:$0x14800] =	vst v63  }
.LBB2_5:
0x69: {  	_ =	sfence.sel $0x180000  }
0x6a: {  	[bflag:$0x0] =	sbarrier.arrive $0xFFFF  }
0x6b: {  	_ =	strace $0x90000047  }
0x6c: {  	s0 =	stileid.u32;
	[bflag:$0x2] =	sbarrier.arrive $0xFFFF  }
0x6d: {  	p0 =	sne.s32 s0, $0x0;
	s0 =	rddreg [dreg:$0x2]  }
0x6e: {  	s0 =	sadd.s32 @!p0 $0x100000, s0  }
0x6f: {  	[sflag:s0] =	ssyncadd.tile.s32 @!p0 $0x1;
	_ =	shalt  }
.Lfunc_end2:
_tile_overlayer_lowered:
.L_overlay_start_2:
0x70: {  	(tag) =	ssettag $0x2  }
0x71: {  	s0 =	rddreg [dreg:$0x0];
	s2 =	stileid.u32  }
0x72: {  	s1 =	rddreg [dreg:$0x1];
	p0 =	sne.s32 s2, $0x0  }
0x73: {  	s3 =	rddreg [dreg:$0x2];
	[bflag:$0x3] =	sbarrier.arrive $0xFFFF;
	s2 =	simm.s32 @!p0 $0x1C09  }
0x74: {  	[timem:s3], [sflag:s2] =	dma.local @!p0 [hbm:s0], s1  }
0x75: {  	s0 =	simm.s32 @!p0 $0x9  }
0x76: {  	_ =	swait.ge @!p0 [sflag:s0], s1  }
0x77: {  	s1 =	ssub.s32 @!p0 $0x0, s1;
	[sflag:s0] =	ssyncset.done @!p0 $0x0  }
0x78: {  	[sflag:s0] =	ssyncadd.s32 @!p0 s1  }
0x79: {  	[bflag:$0x3] =	sbarrier.arrive $0xFFFF  }
0x7a: {  	_ =	shalt  }

// kernel: sparse-core-data-format-call.cloned.1.call-start
scs
called_computation_lowered:
.L_overlay_start_0:
0x0: {  	s2 =	sld [smem:$0x3FD9]  }
0x1: {  	s3 =	sld [smem:$0x3FFE];
	_ =	sdelay $0x1  }
0x2: {  	s1 =	srdreg.scid  }
0x3: {  	s0 =	sand.u32 $0x1, s1  }
0x4: {  	s18 =	sshll.u32 s0, $0xA;
	s2 =	sadd.s32 s3, s2  }
0x5: {  	s2 =	sadd.s32 s2, s18  }
0x6: {  	[smem:$0x3FC6] =	sst s2  }
0x7: {  	_ = 	snop  }
0x8: {  	s2 =	sld [smem:$0x3FD0];
	(tm) =	ssettm $0x1  }
0x9: {  	s19 =	sld [smem:$0x3FFB];
	_ =	sdelay $0x3  }
0xa: {  	_ =	strace s19  }
0xb: {  	s3 =	sld [smem:$0x3FFC];
	_ =	sdelay $0x3  }
0xc: {  	_ =	strace s3  }
0xd: {  	s3 =	sld [smem:$0x3FFD];
	_ =	sdelay $0x3  }
0xe: {  	_ =	strace s3  }
0xf: {  	_ =	strace $0x8FFFFFFF  }
0x10: {  	s20 =	sld [smem:$0x3FDB];
	_ =	sdelay $0x1  }
0x11: {  	s4 =	simm.s32 $_scs_section_size  }
0x12: {  	s5 =	simm.s32 $_size__tile_overlayer_lowered;
	s6 =	simm.s32 $_tile_overlayer_lowered  }
0x13: {  	s23 =	simm.s32 $0x1BFF;
	s22 =	sshll.u32 s6, $0x1;
	s3 =	sadd.s32 s4, s20  }
0x14: {  	s7 =	simm.s32 $0x0;
	s21 =	sshll.u32 s5, $0x1;
	s5 =	sadd.s32 s22, s3  }
0x15: {  	[timem:s7], [sflag:s23] =	dma.local [hbm:s5], s21  }
0x16: {  	_ =	swait.ge [sflag:s23], s21  }
0x17: {  	s4 =	ssub.s32 $0x0, s21;
	[sflag:s23] =	ssyncset.done $0x0  }
0x18: {  	[sflag:s23] =	ssyncadd.s32 s4;
	_ =	sdelay $0x1  }
0x19: {  	s24 =	simm.s32 $0x1B8B  }
0x1a: {  	_ =	swait.ge [sflag:s24], $0x1  }
0x1b: {  	[sflag:s24] =	ssyncset.done $0x0  }
0x1c: {  	s26 =	simm.s32 $0x1B8E;
	s25 =	sld [smem:$0x3FFE];
	[sflag:s24] =	ssyncadd.s32 $0xFFFFFFFF  }
0x1d: {  	s27 =	simm.s32 $execute0_lowered;
	[smem:$0x3FD2] =	sst s26  }
0x1e: {  	s5 =	sshll.u32 s27, $0x1;
	_ =	strace $0x80000049;
	[dreg:$0x1] =	wrdreg $0xFFFFFFFF  }
0x1f: {  	s28 =	simm.s32 $_size_execute0_lowered;
	s3 =	sadd.s32 s3, s5;
	[dreg:$0x0] =	wrdreg $0x0  }
0x20: {  	s5 =	sshll.u32 s28, $0x1;
	[dreg:$0x2] =	wrdreg s3  }
0x21: {  	[dreg:$0x3] =	wrdreg s5  }
0x22: {  	[dreg:$0x4] =	wrdreg $0xC0  }
0x23: {  	_ =	task [dreg:s7], $0x5FFFF  }
0x24: {  	[dreg:$0x1] =	wrdreg $0xFFFFFFFF  }
0x25: {  	[dreg:$0x0] =	wrdreg $0x60  }
0x26: {  	[dreg:$0x2] =	wrdreg s25  }
0x27: {  	[dreg:$0x3] =	wrdreg s2  }
0x28: {  	[dreg:$0x4] =	wrdreg $0x9  }
0x29: {  	_ =	task.clear_ibuf [dreg:s7], $0x5FFFF;
	_ =	strace $0x90000049  }
0x2a: {  	s29 =	simm.s32 $0x9;
	_ =	strace $0x8000004B  }
0x2b: {  	_ =	swait.ge [sflag:s29], $0x1  }
0x2c: {  	[sflag:s29] =	ssyncadd.s32 $0xFFFFFFFF  }
0x2d: {  	_ =	strace $0x9000004B  }
0x2e: {  	_ =	sfence  }
0x2f: {  	s30 =	sld [smem:$0x0];
	_ =	sdelay $0x2  }
0x30: {  	s31 =	sshll.u32 s1, $0xD;
	s1 =	sshrl.u32 s1, $0x2  }
0x31: {  	s3 =	sand.u32 $0x4000, s31;
	s1 =	sadd.s32 s1, s30  }
0x32: {  	s0 =	sor.u32 s3, s0;
	s1 =	sshll.u32 s1, $0x11  }
0x33: {  	s0 =	sor.u32 s1, s0  }
0x34: {  	s0 =	sadd.s32 $0x8F2B, s0  }
0x35: {  	[sflag:s0] =	ssyncadd.remote.s32 $0x1  }
0x36: {  	_ =	sfence.sel $0xFFFF  }
0x37: {  	[dreg:$0x0] =	wrdreg $0xFFFFFFFF;
	(pc) =	sbr.abs _section_cstart, $3  }
0x38: {  	[dreg:$0x1] =	wrdreg $0xFFFFFFFF  }
0x39: {  	_ =	task.clear_ibuf [dreg:s7], $0x2FFFF;
	_ =	strace $0x9FFFFFFF  }
0x3a: {  	(tm) =	ssettm $0x7FFFFFFF  }
0x3b: {  	_ =	shalt  }
tec
execute0_lowered:
.L_overlay_start_1:
0x0: {  	(tag) =	ssettag $0x1  }
0x1: {  	s0 =	srdreg.scid  }
0x2: {  	s1 =	sshll.u32 s0, $0x4  }
0x3: {  	s0 =	stileid.u32;
	s1 =	sand.u32 $0x10, s1  }
0x4: {  	s1 =	sor.u32 s0, s1  }
0x5: {  	s6 =	rddreg [dreg:$0x0];
	s4 =	simm.s32 $0x1;
	s2 =	sshll.u32 s1, $0x7  }
0x6: {  	s7 =	simm.s32 $0x2;
	s12 =	simm.s32 $0x0;
	s1 =	ssub.s32 $0x1000, s2  }
0x7: {  	s8 =	simm.s32 $0x8000;
	s13 =	simm.s32 $0x0;
	s3 =	sand.u32 $0xF80, s1  }
0x8: {  	s9 =	simm.s32 $0x0;
	s5 =	sshrl.u32 s1, $0xC;
	p0 =	sne.s32 s3, $0x0  }
.Ltmp0:
0x9: {  	s1 =	rddreg [dreg:$0x2];
	s4 =	simm.s32 @!p0 $0x0;
	(pc) =	sbr.rel .LBB1_1-.Ltmp0, $4  }
0xa: {  	s11 =	simm.s32 $0x0;
	s3 =	rddreg [dreg:$0x1];
	s5 =	sadd.s32 s4, s5  }
0xb: {  	_ =	strace $0x8000004A;
	s4 =	simm.s32 $0x1;
	s5 =	smul.u32 $0xC8, s5  }
0xc: {  	s6 =	sadd.s32 $0xF5BE00, s6;
	s10 =	smov.u32 s2;
	[sflag:s4] =	ssyncpa.u1 $0x0  }
0xd: {  	p0 =	por $0x0, $0x0;
	[sflag:s7] =	ssyncpa.u1 $0x0;
	s7 =	sor.u32 $0x1, s5  }
.LBB1_4:
0xe: {  	s16 =	sshll.u32 s13, $0x3;
	s17 =	sand.u32 $0x78, s13  }
0xf: {  	s30 =	sand.u32 $0x7E00, s13;
	s12 =	sshll.u32 s12, $0xF;
	s16 =	sand.u32 $0xC00, s16  }
0x10: {  	[tilespmem:s15+$0x810 ss:$0x81] =	vst.msk $0xffff, v2;
	s31 =	sand.u32 $0x7, s13;
	s16 =	sor.u32 s17, s16;
	s17 =	sadd.s32 s3, s30  }
0x11: {  	[tilespmem:s15+$0x1020 ss:$0x81] =	vst.msk $0xffff, v0;
	s13 =	sshll.u32 s31, $0x12;
	s12 =	sadd.s32 s12, s17;
	s16 =	sshrl.u32 s16, $0x3  }
0x12: {  	[tilespmem:s15+$0x0 ss:$0x81] =	vst.msk $0xffff, v1;
	s13 =	sor.u32 $0x400, s13;
	s12 =	sadd.s32 s16, s12  }
0x13: {  	[hbm4b:s12+s13] =	stream.strided.scatter [tilespmem:s14], [sflag:$0x2], $0x2000, s8, s13, $0x20;
	[tilespmem:$0x8080] =	vst v63  }
.LBB1_5:
0x14: {  	s14 =	sadd.s32 $0x1, s9  }
0x15: {  	s12 =	sadd.s32 $0x1000, s10;
	s16 =	smov.u32 s10;
	p2 =	sgt.s32 s14, $0xC7  }
0x16: {  	s16 =	smov.u32 @p2 s12  }
0x17: {  	s14 =	simm.s32 @p2 $0x0;
	p2 =	sgt.s32 s16, $0xFFF  }
0x18: {  	s16 =	smov.u32 @p2 s2;
	p2 =	sne.s32 s11, s7  }
.Ltmp1:
0x19: {  	p1 =	slt.u32 s11, $0x2;
	(pc) =	sbr.rel @!p2 .LBB1_6-.Ltmp1, $4  }
0x1a: {  	s15 =	simm.s32 @!p1 $0x2  }
0x1b: {  	s13 =	smov.u32 s10;
	p0 =	por !p0, !p0;
	_ =	swait.ge @!p1 [sflag:s15], $0x2000  }
0x1c: {  	s12 =	smov.u32 s9;
	[sflag:s15] =	ssyncset.done @!p1 $0x0;
	s9 =	smov.u32 s14  }
0x1d: {  	s11 =	sadd.s32 $0x1, s11;
	[sflag:s15] =	ssyncadd.s32 @!p1 $0xFFFFE000;
	s10 =	smov.u32 s16  }
.LBB1_1:
0x1e: {  	p1 =	sge.u32 s11, s5  }
0x1f: {  	s14 =	sand.u32 @!p1 $0x1FFFFFF, s9  }
0x20: {  	s15 =	smulhi.u32 @!p1 $0x147AE15, s14;
	_ =	sdelay $0x1  }
0x21: {  	s15 =	smul.u32 @!p1 $0xC8, s15  }
0x22: {  	s16 =	sxor.u32 @!p1 $0xFFFFFFFF, s11;
	s17 =	smul.u32 @!p1 $0xC80, s10  }
0x23: {  	s31 =	sadd.s32 $0xFFFFFFFF, s11;
	s16 =	sshll.u32 @!p1 s16, $0xD;
	s14 =	ssub.s32 @!p1 s14, s15  }
0x24: {  	s15 =	sand.u32 @!p1 $0x2000, s16;
	s16 =	sadd.s32 @!p1 s6, s17;
	s14 =	sshll.u32 @!p1 s14, $0x4  }
0x25: {  	s17 =	simm.s32 @!p1 $0x6400;
	s14 =	sadd.s32 @!p1 s14, s16;
	s16 =	simm.s32 @!p1 $0x40  }
0x26: {  	[tilespmem:s15], [sflag:$0x1] =	stream.strided.gather @!p1 [hbm4b:s14+s16], $0x2000, s17, s16, $0x38;
	[tilespmem:$0x8080] =	vst v63  }
0x27: {  	p1 =	sge.u32 s31, s5  }
.Ltmp2:
0x28: {  	_ = 	snop;
	(pc) =	sbr.rel @p1 .LBB1_5-.Ltmp2, $1  }
0x29: {  	_ =	sdelay $0x3  }
0x2a: {  	s14 =	simm.s32 $0x1  }
0x2b: {  	_ =	swait.ge [sflag:s4], $0x2000;
	s14 =	simm.s32 @!p0 $0x0  }
0x2c: {  	[sflag:s4] =	ssyncset.done $0x0;
	s15 =	sshll.u32 s14, $0xD  }
0x2d: {  	[sflag:s4] =	ssyncadd.s32 $0xFFFFE000;
	s18 =	sor.u32 $0x20, s15  }
0x2e: {  	s14 =	smul.u32 $0x8100, s14;
	v3 =	vld [tilespmem:s18+$0x10]  }
0x2f: {  	s30 =	sand.u32 $0x1, s11;
	v2 =	vld [tilespmem:s18+$0xFFFFFFF0]  }
0x30: {  	s15 =	smul.u32 $0x8100, s30;
	s14 =	sshrl.u32 s14, $0x2;
	v0 =	vld [tilespmem:s18+$0x0]  }
0x31: {  	v1 =	vld [tilespmem:s18+$0xFFFFFFE0];
	s16 =	sor.u32 $0x4000, s14  }
0x32: {  	s31 =	sshrl.u32 s15, $0x2;
	s15 =	sadd.s32 $0x0, s16  }
0x33: {  	s17 =	simm.s32 $0x4;
	s18 =	sadd.s32 $0x40, s18;
	s14 =	sor.u32 $0x4000, s31;
	[tilespmem:s15+$0x1830 ss:$0x81] =	vst.msk $0xffff, v3  }
.LBB1_3:
0x34: {  	v3 =	vld [tilespmem:s18+$0x10];
	p1 =	sne.s32 s17, $0x1FC;
	[tilespmem:s15+$0x810 ss:$0x81] =	vst.msk $0xffff, v2;
	s19 =	smov.u32 s17;
	s17 =	sadd.s32 $0x4, s17  }
.Ltmp3:
0x35: {  	v2 =	vld [tilespmem:s18+$0xFFFFFFF0];
	[tilespmem:s15+$0x1020 ss:$0x81] =	vst.msk $0xffff, v0;
	(pc) =	sbr.rel @p1 .LBB1_3-.Ltmp3, $4  }
0x36: {  	v0 =	vld [tilespmem:s18+$0x0];
	[tilespmem:s15+$0x0 ss:$0x81] =	vst.msk $0xffff, v1  }
0x37: {  	s15 =	sshra.s32 s19, $0x2;
	v1 =	vld [tilespmem:s18+$0xFFFFFFE0]  }
0x38: {  	s15 =	sadd.s32 s15, s16  }
0x39: {  	s18 =	sadd.s32 $0x40, s18;
	[tilespmem:s15+$0x1830 ss:$0x81] =	vst.msk $0xffff, v3  }
.Ltmp4:
0x3a: {  	_ = 	snop;
	(pc) =	sbr.rel .LBB1_4-.Ltmp4, $1  }
0x3b: {  	_ =	sdelay $0x3  }
.LBB1_6:
0x3c: {  	_ =	sfence.sel $0x180000  }
0x3d: {  	s2 =	simm.s32 $0x1;
	[bflag:$0x0] =	sbarrier.arrive $0xFFFF  }
0x3e: {  	s31 =	simm.s32 $0x2;
	[sflag:s2] =	ssyncpa.u1 $0x1  }
0x3f: {  	[sflag:s31] =	ssyncpa.u1 $0x1  }
0x40: {  	p0 =	sne.s32 s0, $0x0;
	_ =	strace $0x9000004A  }
0x41: {  	s0 =	sadd.s32 @!p0 $0x100000, s1;
	[bflag:$0x2] =	sbarrier.arrive $0xFFFF  }
0x42: {  	[sflag:s0] =	ssyncadd.tile.s32 @!p0 $0x1;
	_ =	shalt  }
.Lfunc_end1:
_tile_overlayer_lowered:
.L_overlay_start_2:
0x43: {  	(tag) =	ssettag $0x2  }
0x44: {  	s0 =	rddreg [dreg:$0x0];
	s2 =	stileid.u32  }
0x45: {  	s1 =	rddreg [dreg:$0x1];
	p0 =	sne.s32 s2, $0x0  }
0x46: {  	s3 =	rddreg [dreg:$0x2];
	[bflag:$0x3] =	sbarrier.arrive $0xFFFF;
	s2 =	simm.s32 @!p0 $0x1C01  }
0x47: {  	[timem:s3], [sflag:s2] =	dma.local @!p0 [hbm:s0], s1  }
0x48: {  	s0 =	simm.s32 @!p0 $0x1  }
0x49: {  	_ =	swait.ge @!p0 [sflag:s0], s1  }
0x4a: {  	s1 =	ssub.s32 @!p0 $0x0, s1;
	[sflag:s0] =	ssyncset.done @!p0 $0x0  }
0x4b: {  	[sflag:s0] =	ssyncadd.s32 @!p0 s1  }
0x4c: {  	[bflag:$0x3] =	sbarrier.arrive $0xFFFF  }
0x4d: {  	_ =	shalt  }

</sc_bundles>
